<compile_context>
chip_gen: v7x
topology: tpu7x:2x2x1
jax: 0.10.2.dev20260603
libtpu: 0.0.44.dev20260713+nightly
codegen_flags: <defaults>
</compile_context>

<pallas_src>
import functools

import jax
import jax.numpy as jnp
from jax import lax
from jax.experimental import pallas as pl
from jax.experimental.pallas import tpu as pltpu
from jax.experimental.pallas import tpu_sc as plsc

_EMB = 8
_DIM = 4
_L = 16


@functools.cache
def _make_lookup(n_ids: int):
    mesh = plsc.VectorSubcoreMesh(core_axis_name="c", subcore_axis_name="s", num_cores=1)
    n_workers = mesh.num_cores * mesh.num_subcores
    nc = mesh.num_cores
    ids_per_w = n_ids // n_workers
    out_per_w = ids_per_w * _DIM
    n_iter = ids_per_w // _L
    assert ids_per_w * n_workers == n_ids and n_iter * _L == ids_per_w

    @functools.partial(
        pl.kernel,
        out_type=jax.ShapeDtypeStruct((n_ids * _DIM,), jnp.float32),
        mesh=mesh,
        scratch_types=[
            pltpu.VMEM((ids_per_w,), jnp.int32),
            pltpu.VMEM((_EMB * _DIM,), jnp.float32),
            pltpu.VMEM((out_per_w,), jnp.float32),
            pltpu.SemaphoreType.DMA,
            pltpu.SemaphoreType.DMA,
            pltpu.SemaphoreType.DMA,
        ],
        compiler_params=pltpu.CompilerParams(needs_layout_passes=False),
    )
    def lookup(ids_hbm, table_hbm, out_hbm, ids_v, tab_v, out_v, sem_i, sem_t, sem_o):
        wid = lax.axis_index("s") * nc + lax.axis_index("c")
        base = wid * ids_per_w
        n_chunk = 4
        chunk = n_iter // n_chunk
        chunk_out = chunk * _L * _DIM
        ids_cp = pltpu.async_copy(ids_hbm.at[pl.ds(base, ids_per_w)], ids_v, sem_i)
        tab_cp = pltpu.async_copy(table_hbm, tab_v, sem_t)
        tab_cp.wait()
        tab_v[pl.ds(0, _L)] = tab_v[pl.ds(0, _L)] + 1.0
        tab_v[pl.ds(_L, _L)] = tab_v[pl.ds(_L, _L)] + 1.0
        ids_cp.wait()

        lane4 = lax.iota(jnp.int32, _L) * _DIM

        out_cps = []
        for c in range(n_chunk):

            @plsc.parallel_loop(c * chunk, (c + 1) * chunk, unroll=8)
            def _(i):
                ids16 = ids_v[pl.ds(i * _L, _L)]
                gidx = ids16 * _DIM
                st_base = lane4 + i * (_L * _DIM)
                for d in range(_DIM):
                    vals = plsc.load_gather(tab_v, [gidx + d])
                    plsc.store_scatter(out_v, [st_base + d], vals)

            src = out_v.at[pl.ds(c * chunk_out, chunk_out)]
            dst = out_hbm.at[pl.ds(base * _DIM + c * chunk_out, chunk_out)]
            if c < n_chunk - 1:
                out_cps.append(pltpu.async_copy(src, dst, sem_o))
            else:
                pltpu.sync_copy(src, dst)
        for cp in out_cps:
            cp.wait()

    return lookup


def kernel(input_ids, embed_weight):
    ids_flat = input_ids.reshape(-1).astype(jnp.int32)
    table_flat = embed_weight.reshape(-1)
    out_flat = _make_lookup(ids_flat.shape[0])(ids_flat, table_flat)
    return out_flat.reshape(*input_ids.shape, _DIM)

# --- scband reference (transcript-rebuilt; emitter-appended) ---
"""Pipeline reference for scband-dummy-text-encoder-57157424775274 (READ-ONLY COPY).

The authoritative reference and input builder live on the scoring server;
editing this copy changes nothing except your own understanding.
"""

import jax, jax.numpy as jnp
import numpy as np

NUM_EMB = 8
EMB_DIM = 4

def setup_inputs(seed: int = 0) -> dict:
    key = jax.random.key(seed)
    k_ids, k_w = jax.random.split(key)
    input_ids = jax.random.randint(k_ids, (4, 8192), 0, NUM_EMB, dtype=jnp.int64 if jax.config.jax_enable_x64 else jnp.int32)
    embed_weight = jax.random.normal(k_w, (NUM_EMB, EMB_DIM), dtype=jnp.float32)
    return {"input_ids": input_ids, "embed_weight": embed_weight}

def reference(input_ids, embed_weight):
    # DummyTextEncoder.forward: embedding lookup then +1.0; returns last_hidden_state
    last_hidden_state = jnp.take(embed_weight, input_ids, axis=0) + 1.0
    return last_hidden_state

if __name__ == "__main__":
    import jax
    _d = setup_inputs()
    print(jax.jit(kernel)(*tuple(_d.values())))

</pallas_src>

<mosaic_0001>
#map = affine_map<(d0, d1) -> (0)>
module attributes {stable_mosaic.version = 14 : i64} {
  func.func @lookup(%arg0: i32, %arg1: i32, %arg2: memref<32768xi32, #tpu.memory_space<hbm>>, %arg3: memref<32xf32, #tpu.memory_space<hbm>>, %arg4: memref<131072xf32, #tpu.memory_space<hbm>>, %arg5: memref<2048xi32, #tpu.memory_space<vmem>>, %arg6: memref<32xf32, #tpu.memory_space<vmem>>, %arg7: memref<8192xf32, #tpu.memory_space<vmem>>, %arg8: memref<!tpu.dma_semaphore, #tpu.memory_space<semaphore_mem>>, %arg9: memref<!tpu.dma_semaphore, #tpu.memory_space<semaphore_mem>>, %arg10: memref<!tpu.dma_semaphore, #tpu.memory_space<semaphore_mem>>) attributes {dimension_semantics = [#tpu.dimension_semantics<core_parallel>, #tpu.dimension_semantics<subcore_parallel>], iteration_bounds = array<i64: 1, 16>, scalar_prefetch = 0 : i64, scratch_operands = 6 : i64, tpu.core_type = #tpu.core_type<sc_vector_subcore>, window_params = [{transform_indices = #map}, {transform_indices = #map}, {transform_indices = #map}]} {
    %mul3A = arith.constant 1 : i32
    %mul3A_0 = arith.muli %arg1, %mul3A : i32
    %add3A = arith.addi %mul3A_0, %arg0 : i32
    %mul3A_1 = arith.constant 2048 : i32
    %mul3A_2 = arith.muli %add3A, %mul3A_1 : i32
    %dma_start3A = tpu.memref_slice %arg2[%mul3A_2] : memref<32768xi32, #tpu.memory_space<hbm>> -> memref<2048xi32, #tpu.memory_space<hbm>>
    %dma_start3A_3 = tpu.memref_slice %arg2[%mul3A_2] : memref<32768xi32, #tpu.memory_space<hbm>> -> memref<2048xi32, #tpu.memory_space<hbm>>
    tpu.enqueue_dma source(%dma_start3A_3 : memref<2048xi32, #tpu.memory_space<hbm>>) target(%arg5 : memref<2048xi32, #tpu.memory_space<vmem>>) target_semaphore(%arg8 : memref<!tpu.dma_semaphore, #tpu.memory_space<semaphore_mem>>)
    tpu.enqueue_dma source(%arg3 : memref<32xf32, #tpu.memory_space<hbm>>) target(%arg6 : memref<32xf32, #tpu.memory_space<vmem>>) target_semaphore(%arg9 : memref<!tpu.dma_semaphore, #tpu.memory_space<semaphore_mem>>)
    tpu.wait_dma2 semaphore(%arg9 : memref<!tpu.dma_semaphore, #tpu.memory_space<semaphore_mem>>) src(%arg3 : memref<32xf32, #tpu.memory_space<hbm>>) dst(%arg6 : memref<32xf32, #tpu.memory_space<vmem>>)
    %get3A = arith.constant 0 : index
    %get3A_4 = tpu.vector_load %arg6[%get3A] {strides = array<i32>} : memref<32xf32, #tpu.memory_space<vmem>>, vector<16xf32>,
    %add3A_5 = arith.constant 1.000000e+00 : f32
    %add3A_6 = vector.broadcast %add3A_5 : f32 to vector<16xf32>
    %add3A_7 = arith.addf %get3A_4, %add3A_6 : vector<16xf32>
    %swap3A = arith.constant 0 : index
    %swap3A_8 = tpu.vector_load %arg6[%swap3A] {strides = array<i32>} : memref<32xf32, #tpu.memory_space<vmem>>, vector<16xf32>,
    tpu.vector_store %arg6[%swap3A], %add3A_7 {strides = array<i32>} : memref<32xf32, #tpu.memory_space<vmem>>, vector<16xf32>,
    %get3A_9 = arith.constant 16 : index
    %get3A_10 = tpu.vector_load %arg6[%get3A_9] {strides = array<i32>} : memref<32xf32, #tpu.memory_space<vmem>>, vector<16xf32>,
    %add3A_11 = arith.constant 1.000000e+00 : f32
    %add3A_12 = vector.broadcast %add3A_11 : f32 to vector<16xf32>
    %add3A_13 = arith.addf %get3A_10, %add3A_12 : vector<16xf32>
    %swap3A_14 = arith.constant 16 : index
    %swap3A_15 = tpu.vector_load %arg6[%swap3A_14] {strides = array<i32>} : memref<32xf32, #tpu.memory_space<vmem>>, vector<16xf32>,
    tpu.vector_store %arg6[%swap3A_14], %add3A_13 {strides = array<i32>} : memref<32xf32, #tpu.memory_space<vmem>>, vector<16xf32>,
    %dma_wait3A = tpu.memref_slice %arg2[%mul3A_2] : memref<32768xi32, #tpu.memory_space<hbm>> -> memref<2048xi32, #tpu.memory_space<hbm>>
    %dma_wait3A_16 = tpu.memref_slice %arg2[%mul3A_2] : memref<32768xi32, #tpu.memory_space<hbm>> -> memref<2048xi32, #tpu.memory_space<hbm>>
    tpu.wait_dma2 semaphore(%arg8 : memref<!tpu.dma_semaphore, #tpu.memory_space<semaphore_mem>>) src(%dma_wait3A_16 : memref<2048xi32, #tpu.memory_space<hbm>>) dst(%arg5 : memref<2048xi32, #tpu.memory_space<vmem>>)
    %iota3A = tpu.iota {dimensions = array<i32: 0>} : vector<16xi32>
    %mul3A_17 = arith.constant 4 : i32
    %mul3A_18 = vector.broadcast %mul3A_17 : i32 to vector<16xi32>
    %mul3A_19 = arith.muli %iota3A, %mul3A_18 : vector<16xi32>
    %parallel_loop3A = arith.constant 0 : i32
    %parallel_loop3A_20 = arith.constant 32 : i32
    %parallel_loop3A_21 = arith.constant 1 : i32
    scf.for %parallel_loop3A_83 = %parallel_loop3A to %parallel_loop3A_20 step %parallel_loop3A_21  : i32 {
      %parallel_loop3A_84 = arith.constant 16 : i32
      %parallel_loop3A_85 = arith.muli %parallel_loop3A_83, %parallel_loop3A_84 : i32
      %parallel_loop3A_86 = arith.index_cast %parallel_loop3A_85 : i32 to index
      %parallel_loop3A_87 = tpu.vector_load %arg5[%parallel_loop3A_86] {strides = array<i32>} : memref<2048xi32, #tpu.memory_space<vmem>>, vector<16xi32>,
      %parallel_loop3A_88 = arith.constant 4 : i32
      %parallel_loop3A_89 = vector.broadcast %parallel_loop3A_88 : i32 to vector<16xi32>
      %parallel_loop3A_90 = arith.muli %parallel_loop3A_87, %parallel_loop3A_89 : vector<16xi32>
      %parallel_loop3A_91 = arith.constant 64 : i32
      %parallel_loop3A_92 = arith.muli %parallel_loop3A_83, %parallel_loop3A_91 : i32
      %parallel_loop3A_93 = vector.broadcast %parallel_loop3A_92 : i32 to vector<16xi32>
      %parallel_loop3A_94 = arith.addi %mul3A_19, %parallel_loop3A_93 : vector<16xi32>
      %parallel_loop3A_95 = arith.constant 0 : i32
      %parallel_loop3A_96 = vector.broadcast %parallel_loop3A_95 : i32 to vector<16xi32>
      %parallel_loop3A_97 = arith.addi %parallel_loop3A_90, %parallel_loop3A_96 : vector<16xi32>
      %parallel_loop3A_98 = tpu.vector_load_idx %arg6[%parallel_loop3A_97] : memref<32xf32, #tpu.memory_space<vmem>>[vector<16xi32>], vector<16xf32>,
      %parallel_loop3A_99 = arith.constant 0 : i32
      %parallel_loop3A_100 = vector.broadcast %parallel_loop3A_99 : i32 to vector<16xi32>
      %parallel_loop3A_101 = arith.addi %parallel_loop3A_94, %parallel_loop3A_100 : vector<16xi32>
      tpu.vector_store_idx %arg7[%parallel_loop3A_101], %parallel_loop3A_98 : memref<8192xf32, #tpu.memory_space<vmem>>[vector<16xi32>], vector<16xf32>,
      %parallel_loop3A_102 = arith.constant 1 : i32
      %parallel_loop3A_103 = vector.broadcast %parallel_loop3A_102 : i32 to vector<16xi32>
      %parallel_loop3A_104 = arith.addi %parallel_loop3A_90, %parallel_loop3A_103 : vector<16xi32>
      %parallel_loop3A_105 = tpu.vector_load_idx %arg6[%parallel_loop3A_104] : memref<32xf32, #tpu.memory_space<vmem>>[vector<16xi32>], vector<16xf32>,
      %parallel_loop3A_106 = arith.constant 1 : i32
      %parallel_loop3A_107 = vector.broadcast %parallel_loop3A_106 : i32 to vector<16xi32>
      %parallel_loop3A_108 = arith.addi %parallel_loop3A_94, %parallel_loop3A_107 : vector<16xi32>
      tpu.vector_store_idx %arg7[%parallel_loop3A_108], %parallel_loop3A_105 : memref<8192xf32, #tpu.memory_space<vmem>>[vector<16xi32>], vector<16xf32>,
      %parallel_loop3A_109 = arith.constant 2 : i32
      %parallel_loop3A_110 = vector.broadcast %parallel_loop3A_109 : i32 to vector<16xi32>
      %parallel_loop3A_111 = arith.addi %parallel_loop3A_90, %parallel_loop3A_110 : vector<16xi32>
      %parallel_loop3A_112 = tpu.vector_load_idx %arg6[%parallel_loop3A_111] : memref<32xf32, #tpu.memory_space<vmem>>[vector<16xi32>], vector<16xf32>,
      %parallel_loop3A_113 = arith.constant 2 : i32
      %parallel_loop3A_114 = vector.broadcast %parallel_loop3A_113 : i32 to vector<16xi32>
      %parallel_loop3A_115 = arith.addi %parallel_loop3A_94, %parallel_loop3A_114 : vector<16xi32>
      tpu.vector_store_idx %arg7[%parallel_loop3A_115], %parallel_loop3A_112 : memref<8192xf32, #tpu.memory_space<vmem>>[vector<16xi32>], vector<16xf32>,
      %parallel_loop3A_116 = arith.constant 3 : i32
      %parallel_loop3A_117 = vector.broadcast %parallel_loop3A_116 : i32 to vector<16xi32>
      %parallel_loop3A_118 = arith.addi %parallel_loop3A_90, %parallel_loop3A_117 : vector<16xi32>
      %parallel_loop3A_119 = tpu.vector_load_idx %arg6[%parallel_loop3A_118] : memref<32xf32, #tpu.memory_space<vmem>>[vector<16xi32>], vector<16xf32>,
      %parallel_loop3A_120 = arith.constant 3 : i32
      %parallel_loop3A_121 = vector.broadcast %parallel_loop3A_120 : i32 to vector<16xi32>
      %parallel_loop3A_122 = arith.addi %parallel_loop3A_94, %parallel_loop3A_121 : vector<16xi32>
      tpu.vector_store_idx %arg7[%parallel_loop3A_122], %parallel_loop3A_119 : memref<8192xf32, #tpu.memory_space<vmem>>[vector<16xi32>], vector<16xf32>,
    } {sc.loop_unroll_factor = 8 : i64, sc.parallel_access}
    %mul3A_22 = arith.constant 4 : i32
    %mul3A_23 = arith.muli %mul3A_2, %mul3A_22 : i32
    %add3A_24 = arith.constant 0 : i32
    %add3A_25 = arith.addi %mul3A_23, %add3A_24 : i32
    %dma_start3A_26 = arith.constant 0 : i32
    %dma_start3A_27 = tpu.memref_slice %arg7[%dma_start3A_26] : memref<8192xf32, #tpu.memory_space<vmem>> -> memref<2048xf32, #tpu.memory_space<vmem>>
    %dma_start3A_28 = tpu.memref_slice %arg4[%add3A_25] : memref<131072xf32, #tpu.memory_space<hbm>> -> memref<2048xf32, #tpu.memory_space<hbm>>
    %dma_start3A_29 = tpu.memref_slice %arg4[%add3A_25] : memref<131072xf32, #tpu.memory_space<hbm>> -> memref<2048xf32, #tpu.memory_space<hbm>>
    %dma_start3A_30 = arith.constant 0 : i32
    %dma_start3A_31 = tpu.memref_slice %arg7[%dma_start3A_30] : memref<8192xf32, #tpu.memory_space<vmem>> -> memref<2048xf32, #tpu.memory_space<vmem>>
    tpu.enqueue_dma source(%dma_start3A_31 : memref<2048xf32, #tpu.memory_space<vmem>>) target(%dma_start3A_29 : memref<2048xf32, #tpu.memory_space<hbm>>) target_semaphore(%arg10 : memref<!tpu.dma_semaphore, #tpu.memory_space<semaphore_mem>>)
    %parallel_loop3A_32 = arith.constant 32 : i32
    %parallel_loop3A_33 = arith.constant 64 : i32
    %parallel_loop3A_34 = arith.constant 1 : i32
    scf.for %parallel_loop3A_83 = %parallel_loop3A_32 to %parallel_loop3A_33 step %parallel_loop3A_34  : i32 {
      %parallel_loop3A_84 = arith.constant 16 : i32
      %parallel_loop3A_85 = arith.muli %parallel_loop3A_83, %parallel_loop3A_84 : i32
      %parallel_loop3A_86 = arith.index_cast %parallel_loop3A_85 : i32 to index
      %parallel_loop3A_87 = tpu.vector_load %arg5[%parallel_loop3A_86] {strides = array<i32>} : memref<2048xi32, #tpu.memory_space<vmem>>, vector<16xi32>,
      %parallel_loop3A_88 = arith.constant 4 : i32
      %parallel_loop3A_89 = vector.broadcast %parallel_loop3A_88 : i32 to vector<16xi32>
      %parallel_loop3A_90 = arith.muli %parallel_loop3A_87, %parallel_loop3A_89 : vector<16xi32>
      %parallel_loop3A_91 = arith.constant 64 : i32
      %parallel_loop3A_92 = arith.muli %parallel_loop3A_83, %parallel_loop3A_91 : i32
      %parallel_loop3A_93 = vector.broadcast %parallel_loop3A_92 : i32 to vector<16xi32>
      %parallel_loop3A_94 = arith.addi %mul3A_19, %parallel_loop3A_93 : vector<16xi32>
      %parallel_loop3A_95 = arith.constant 0 : i32
      %parallel_loop3A_96 = vector.broadcast %parallel_loop3A_95 : i32 to vector<16xi32>
      %parallel_loop3A_97 = arith.addi %parallel_loop3A_90, %parallel_loop3A_96 : vector<16xi32>
      %parallel_loop3A_98 = tpu.vector_load_idx %arg6[%parallel_loop3A_97] : memref<32xf32, #tpu.memory_space<vmem>>[vector<16xi32>], vector<16xf32>,
      %parallel_loop3A_99 = arith.constant 0 : i32
      %parallel_loop3A_100 = vector.broadcast %parallel_loop3A_99 : i32 to vector<16xi32>
      %parallel_loop3A_101 = arith.addi %parallel_loop3A_94, %parallel_loop3A_100 : vector<16xi32>
      tpu.vector_store_idx %arg7[%parallel_loop3A_101], %parallel_loop3A_98 : memref<8192xf32, #tpu.memory_space<vmem>>[vector<16xi32>], vector<16xf32>,
      %parallel_loop3A_102 = arith.constant 1 : i32
      %parallel_loop3A_103 = vector.broadcast %parallel_loop3A_102 : i32 to vector<16xi32>
      %parallel_loop3A_104 = arith.addi %parallel_loop3A_90, %parallel_loop3A_103 : vector<16xi32>
      %parallel_loop3A_105 = tpu.vector_load_idx %arg6[%parallel_loop3A_104] : memref<32xf32, #tpu.memory_space<vmem>>[vector<16xi32>], vector<16xf32>,
      %parallel_loop3A_106 = arith.constant 1 : i32
      %parallel_loop3A_107 = vector.broadcast %parallel_loop3A_106 : i32 to vector<16xi32>
      %parallel_loop3A_108 = arith.addi %parallel_loop3A_94, %parallel_loop3A_107 : vector<16xi32>
      tpu.vector_store_idx %arg7[%parallel_loop3A_108], %parallel_loop3A_105 : memref<8192xf32, #tpu.memory_space<vmem>>[vector<16xi32>], vector<16xf32>,
      %parallel_loop3A_109 = arith.constant 2 : i32
      %parallel_loop3A_110 = vector.broadcast %parallel_loop3A_109 : i32 to vector<16xi32>
      %parallel_loop3A_111 = arith.addi %parallel_loop3A_90, %parallel_loop3A_110 : vector<16xi32>
      %parallel_loop3A_112 = tpu.vector_load_idx %arg6[%parallel_loop3A_111] : memref<32xf32, #tpu.memory_space<vmem>>[vector<16xi32>], vector<16xf32>,
      %parallel_loop3A_113 = arith.constant 2 : i32
      %parallel_loop3A_114 = vector.broadcast %parallel_loop3A_113 : i32 to vector<16xi32>
      %parallel_loop3A_115 = arith.addi %parallel_loop3A_94, %parallel_loop3A_114 : vector<16xi32>
      tpu.vector_store_idx %arg7[%parallel_loop3A_115], %parallel_loop3A_112 : memref<8192xf32, #tpu.memory_space<vmem>>[vector<16xi32>], vector<16xf32>,
      %parallel_loop3A_116 = arith.constant 3 : i32
      %parallel_loop3A_117 = vector.broadcast %parallel_loop3A_116 : i32 to vector<16xi32>
      %parallel_loop3A_118 = arith.addi %parallel_loop3A_90, %parallel_loop3A_117 : vector<16xi32>
      %parallel_loop3A_119 = tpu.vector_load_idx %arg6[%parallel_loop3A_118] : memref<32xf32, #tpu.memory_space<vmem>>[vector<16xi32>], vector<16xf32>,
      %parallel_loop3A_120 = arith.constant 3 : i32
      %parallel_loop3A_121 = vector.broadcast %parallel_loop3A_120 : i32 to vector<16xi32>
      %parallel_loop3A_122 = arith.addi %parallel_loop3A_94, %parallel_loop3A_121 : vector<16xi32>
      tpu.vector_store_idx %arg7[%parallel_loop3A_122], %parallel_loop3A_119 : memref<8192xf32, #tpu.memory_space<vmem>>[vector<16xi32>], vector<16xf32>,
    } {sc.loop_unroll_factor = 8 : i64, sc.parallel_access}
    %mul3A_35 = arith.constant 4 : i32
    %mul3A_36 = arith.muli %mul3A_2, %mul3A_35 : i32
    %add3A_37 = arith.constant 2048 : i32
    %add3A_38 = arith.addi %mul3A_36, %add3A_37 : i32
    %dma_start3A_39 = arith.constant 2048 : i32
    %dma_start3A_40 = tpu.memref_slice %arg7[%dma_start3A_39] : memref<8192xf32, #tpu.memory_space<vmem>> -> memref<2048xf32, #tpu.memory_space<vmem>>
    %dma_start3A_41 = tpu.memref_slice %arg4[%add3A_38] : memref<131072xf32, #tpu.memory_space<hbm>> -> memref<2048xf32, #tpu.memory_space<hbm>>
    %dma_start3A_42 = tpu.memref_slice %arg4[%add3A_38] : memref<131072xf32, #tpu.memory_space<hbm>> -> memref<2048xf32, #tpu.memory_space<hbm>>
    %dma_start3A_43 = arith.constant 2048 : i32
    %dma_start3A_44 = tpu.memref_slice %arg7[%dma_start3A_43] : memref<8192xf32, #tpu.memory_space<vmem>> -> memref<2048xf32, #tpu.memory_space<vmem>>
    tpu.enqueue_dma source(%dma_start3A_44 : memref<2048xf32, #tpu.memory_space<vmem>>) target(%dma_start3A_42 : memref<2048xf32, #tpu.memory_space<hbm>>) target_semaphore(%arg10 : memref<!tpu.dma_semaphore, #tpu.memory_space<semaphore_mem>>)
    %parallel_loop3A_45 = arith.constant 64 : i32
    %parallel_loop3A_46 = arith.constant 96 : i32
    %parallel_loop3A_47 = arith.constant 1 : i32
    scf.for %parallel_loop3A_83 = %parallel_loop3A_45 to %parallel_loop3A_46 step %parallel_loop3A_47  : i32 {
      %parallel_loop3A_84 = arith.constant 16 : i32
      %parallel_loop3A_85 = arith.muli %parallel_loop3A_83, %parallel_loop3A_84 : i32
      %parallel_loop3A_86 = arith.index_cast %parallel_loop3A_85 : i32 to index
      %parallel_loop3A_87 = tpu.vector_load %arg5[%parallel_loop3A_86] {strides = array<i32>} : memref<2048xi32, #tpu.memory_space<vmem>>, vector<16xi32>,
      %parallel_loop3A_88 = arith.constant 4 : i32
      %parallel_loop3A_89 = vector.broadcast %parallel_loop3A_88 : i32 to vector<16xi32>
      %parallel_loop3A_90 = arith.muli %parallel_loop3A_87, %parallel_loop3A_89 : vector<16xi32>
      %parallel_loop3A_91 = arith.constant 64 : i32
      %parallel_loop3A_92 = arith.muli %parallel_loop3A_83, %parallel_loop3A_91 : i32
      %parallel_loop3A_93 = vector.broadcast %parallel_loop3A_92 : i32 to vector<16xi32>
      %parallel_loop3A_94 = arith.addi %mul3A_19, %parallel_loop3A_93 : vector<16xi32>
      %parallel_loop3A_95 = arith.constant 0 : i32
      %parallel_loop3A_96 = vector.broadcast %parallel_loop3A_95 : i32 to vector<16xi32>
      %parallel_loop3A_97 = arith.addi %parallel_loop3A_90, %parallel_loop3A_96 : vector<16xi32>
      %parallel_loop3A_98 = tpu.vector_load_idx %arg6[%parallel_loop3A_97] : memref<32xf32, #tpu.memory_space<vmem>>[vector<16xi32>], vector<16xf32>,
      %parallel_loop3A_99 = arith.constant 0 : i32
      %parallel_loop3A_100 = vector.broadcast %parallel_loop3A_99 : i32 to vector<16xi32>
      %parallel_loop3A_101 = arith.addi %parallel_loop3A_94, %parallel_loop3A_100 : vector<16xi32>
      tpu.vector_store_idx %arg7[%parallel_loop3A_101], %parallel_loop3A_98 : memref<8192xf32, #tpu.memory_space<vmem>>[vector<16xi32>], vector<16xf32>,
      %parallel_loop3A_102 = arith.constant 1 : i32
      %parallel_loop3A_103 = vector.broadcast %parallel_loop3A_102 : i32 to vector<16xi32>
      %parallel_loop3A_104 = arith.addi %parallel_loop3A_90, %parallel_loop3A_103 : vector<16xi32>
      %parallel_loop3A_105 = tpu.vector_load_idx %arg6[%parallel_loop3A_104] : memref<32xf32, #tpu.memory_space<vmem>>[vector<16xi32>], vector<16xf32>,
      %parallel_loop3A_106 = arith.constant 1 : i32
      %parallel_loop3A_107 = vector.broadcast %parallel_loop3A_106 : i32 to vector<16xi32>
      %parallel_loop3A_108 = arith.addi %parallel_loop3A_94, %parallel_loop3A_107 : vector<16xi32>
      tpu.vector_store_idx %arg7[%parallel_loop3A_108], %parallel_loop3A_105 : memref<8192xf32, #tpu.memory_space<vmem>>[vector<16xi32>], vector<16xf32>,
      %parallel_loop3A_109 = arith.constant 2 : i32
      %parallel_loop3A_110 = vector.broadcast %parallel_loop3A_109 : i32 to vector<16xi32>
      %parallel_loop3A_111 = arith.addi %parallel_loop3A_90, %parallel_loop3A_110 : vector<16xi32>
      %parallel_loop3A_112 = tpu.vector_load_idx %arg6[%parallel_loop3A_111] : memref<32xf32, #tpu.memory_space<vmem>>[vector<16xi32>], vector<16xf32>,
      %parallel_loop3A_113 = arith.constant 2 : i32
      %parallel_loop3A_114 = vector.broadcast %parallel_loop3A_113 : i32 to vector<16xi32>
      %parallel_loop3A_115 = arith.addi %parallel_loop3A_94, %parallel_loop3A_114 : vector<16xi32>
      tpu.vector_store_idx %arg7[%parallel_loop3A_115], %parallel_loop3A_112 : memref<8192xf32, #tpu.memory_space<vmem>>[vector<16xi32>], vector<16xf32>,
      %parallel_loop3A_116 = arith.constant 3 : i32
      %parallel_loop3A_117 = vector.broadcast %parallel_loop3A_116 : i32 to vector<16xi32>
      %parallel_loop3A_118 = arith.addi %parallel_loop3A_90, %parallel_loop3A_117 : vector<16xi32>
      %parallel_loop3A_119 = tpu.vector_load_idx %arg6[%parallel_loop3A_118] : memref<32xf32, #tpu.memory_space<vmem>>[vector<16xi32>], vector<16xf32>,
      %parallel_loop3A_120 = arith.constant 3 : i32
      %parallel_loop3A_121 = vector.broadcast %parallel_loop3A_120 : i32 to vector<16xi32>
      %parallel_loop3A_122 = arith.addi %parallel_loop3A_94, %parallel_loop3A_121 : vector<16xi32>
      tpu.vector_store_idx %arg7[%parallel_loop3A_122], %parallel_loop3A_119 : memref<8192xf32, #tpu.memory_space<vmem>>[vector<16xi32>], vector<16xf32>,
    } {sc.loop_unroll_factor = 8 : i64, sc.parallel_access}
    %mul3A_48 = arith.constant 4 : i32
    %mul3A_49 = arith.muli %mul3A_2, %mul3A_48 : i32
    %add3A_50 = arith.constant 4096 : i32
    %add3A_51 = arith.addi %mul3A_49, %add3A_50 : i32
    %dma_start3A_52 = arith.constant 4096 : i32
    %dma_start3A_53 = tpu.memref_slice %arg7[%dma_start3A_52] : memref<8192xf32, #tpu.memory_space<vmem>> -> memref<2048xf32, #tpu.memory_space<vmem>>
    %dma_start3A_54 = tpu.memref_slice %arg4[%add3A_51] : memref<131072xf32, #tpu.memory_space<hbm>> -> memref<2048xf32, #tpu.memory_space<hbm>>
    %dma_start3A_55 = tpu.memref_slice %arg4[%add3A_51] : memref<131072xf32, #tpu.memory_space<hbm>> -> memref<2048xf32, #tpu.memory_space<hbm>>
    %dma_start3A_56 = arith.constant 4096 : i32
    %dma_start3A_57 = tpu.memref_slice %arg7[%dma_start3A_56] : memref<8192xf32, #tpu.memory_space<vmem>> -> memref<2048xf32, #tpu.memory_space<vmem>>
    tpu.enqueue_dma source(%dma_start3A_57 : memref<2048xf32, #tpu.memory_space<vmem>>) target(%dma_start3A_55 : memref<2048xf32, #tpu.memory_space<hbm>>) target_semaphore(%arg10 : memref<!tpu.dma_semaphore, #tpu.memory_space<semaphore_mem>>)
    %parallel_loop3A_58 = arith.constant 96 : i32
    %parallel_loop3A_59 = arith.constant 128 : i32
    %parallel_loop3A_60 = arith.constant 1 : i32
    scf.for %parallel_loop3A_83 = %parallel_loop3A_58 to %parallel_loop3A_59 step %parallel_loop3A_60  : i32 {
      %parallel_loop3A_84 = arith.constant 16 : i32
      %parallel_loop3A_85 = arith.muli %parallel_loop3A_83, %parallel_loop3A_84 : i32
      %parallel_loop3A_86 = arith.index_cast %parallel_loop3A_85 : i32 to index
      %parallel_loop3A_87 = tpu.vector_load %arg5[%parallel_loop3A_86] {strides = array<i32>} : memref<2048xi32, #tpu.memory_space<vmem>>, vector<16xi32>,
      %parallel_loop3A_88 = arith.constant 4 : i32
      %parallel_loop3A_89 = vector.broadcast %parallel_loop3A_88 : i32 to vector<16xi32>
      %parallel_loop3A_90 = arith.muli %parallel_loop3A_87, %parallel_loop3A_89 : vector<16xi32>
      %parallel_loop3A_91 = arith.constant 64 : i32
      %parallel_loop3A_92 = arith.muli %parallel_loop3A_83, %parallel_loop3A_91 : i32
      %parallel_loop3A_93 = vector.broadcast %parallel_loop3A_92 : i32 to vector<16xi32>
      %parallel_loop3A_94 = arith.addi %mul3A_19, %parallel_loop3A_93 : vector<16xi32>
      %parallel_loop3A_95 = arith.constant 0 : i32
      %parallel_loop3A_96 = vector.broadcast %parallel_loop3A_95 : i32 to vector<16xi32>
      %parallel_loop3A_97 = arith.addi %parallel_loop3A_90, %parallel_loop3A_96 : vector<16xi32>
      %parallel_loop3A_98 = tpu.vector_load_idx %arg6[%parallel_loop3A_97] : memref<32xf32, #tpu.memory_space<vmem>>[vector<16xi32>], vector<16xf32>,
      %parallel_loop3A_99 = arith.constant 0 : i32
      %parallel_loop3A_100 = vector.broadcast %parallel_loop3A_99 : i32 to vector<16xi32>
      %parallel_loop3A_101 = arith.addi %parallel_loop3A_94, %parallel_loop3A_100 : vector<16xi32>
      tpu.vector_store_idx %arg7[%parallel_loop3A_101], %parallel_loop3A_98 : memref<8192xf32, #tpu.memory_space<vmem>>[vector<16xi32>], vector<16xf32>,
      %parallel_loop3A_102 = arith.constant 1 : i32
      %parallel_loop3A_103 = vector.broadcast %parallel_loop3A_102 : i32 to vector<16xi32>
      %parallel_loop3A_104 = arith.addi %parallel_loop3A_90, %parallel_loop3A_103 : vector<16xi32>
      %parallel_loop3A_105 = tpu.vector_load_idx %arg6[%parallel_loop3A_104] : memref<32xf32, #tpu.memory_space<vmem>>[vector<16xi32>], vector<16xf32>,
      %parallel_loop3A_106 = arith.constant 1 : i32
      %parallel_loop3A_107 = vector.broadcast %parallel_loop3A_106 : i32 to vector<16xi32>
      %parallel_loop3A_108 = arith.addi %parallel_loop3A_94, %parallel_loop3A_107 : vector<16xi32>
      tpu.vector_store_idx %arg7[%parallel_loop3A_108], %parallel_loop3A_105 : memref<8192xf32, #tpu.memory_space<vmem>>[vector<16xi32>], vector<16xf32>,
      %parallel_loop3A_109 = arith.constant 2 : i32
      %parallel_loop3A_110 = vector.broadcast %parallel_loop3A_109 : i32 to vector<16xi32>
      %parallel_loop3A_111 = arith.addi %parallel_loop3A_90, %parallel_loop3A_110 : vector<16xi32>
      %parallel_loop3A_112 = tpu.vector_load_idx %arg6[%parallel_loop3A_111] : memref<32xf32, #tpu.memory_space<vmem>>[vector<16xi32>], vector<16xf32>,
      %parallel_loop3A_113 = arith.constant 2 : i32
      %parallel_loop3A_114 = vector.broadcast %parallel_loop3A_113 : i32 to vector<16xi32>
      %parallel_loop3A_115 = arith.addi %parallel_loop3A_94, %parallel_loop3A_114 : vector<16xi32>
      tpu.vector_store_idx %arg7[%parallel_loop3A_115], %parallel_loop3A_112 : memref<8192xf32, #tpu.memory_space<vmem>>[vector<16xi32>], vector<16xf32>,
      %parallel_loop3A_116 = arith.constant 3 : i32
      %parallel_loop3A_117 = vector.broadcast %parallel_loop3A_116 : i32 to vector<16xi32>
      %parallel_loop3A_118 = arith.addi %parallel_loop3A_90, %parallel_loop3A_117 : vector<16xi32>
      %parallel_loop3A_119 = tpu.vector_load_idx %arg6[%parallel_loop3A_118] : memref<32xf32, #tpu.memory_space<vmem>>[vector<16xi32>], vector<16xf32>,
      %parallel_loop3A_120 = arith.constant 3 : i32
      %parallel_loop3A_121 = vector.broadcast %parallel_loop3A_120 : i32 to vector<16xi32>
      %parallel_loop3A_122 = arith.addi %parallel_loop3A_94, %parallel_loop3A_121 : vector<16xi32>
      tpu.vector_store_idx %arg7[%parallel_loop3A_122], %parallel_loop3A_119 : memref<8192xf32, #tpu.memory_space<vmem>>[vector<16xi32>], vector<16xf32>,
    } {sc.loop_unroll_factor = 8 : i64, sc.parallel_access}
    %mul3A_61 = arith.constant 4 : i32
    %mul3A_62 = arith.muli %mul3A_2, %mul3A_61 : i32
    %add3A_63 = arith.constant 6144 : i32
    %add3A_64 = arith.addi %mul3A_62, %add3A_63 : i32
    "tpu.region"() ({
      %run_scoped3A = tpu.sem_alloc : memref<!tpu.dma_semaphore, #tpu.memory_space<semaphore_mem>>
      %dma_start3A_83 = arith.constant 6144 : i32
      %dma_start3A_84 = tpu.memref_slice %arg7[%dma_start3A_83] : memref<8192xf32, #tpu.memory_space<vmem>> -> memref<2048xf32, #tpu.memory_space<vmem>>
      %dma_start3A_85 = tpu.memref_slice %arg4[%add3A_64] : memref<131072xf32, #tpu.memory_space<hbm>> -> memref<2048xf32, #tpu.memory_space<hbm>>
      %dma_start3A_86 = tpu.memref_slice %arg4[%add3A_64] : memref<131072xf32, #tpu.memory_space<hbm>> -> memref<2048xf32, #tpu.memory_space<hbm>>
      %dma_start3A_87 = arith.constant 6144 : i32
      %dma_start3A_88 = tpu.memref_slice %arg7[%dma_start3A_87] : memref<8192xf32, #tpu.memory_space<vmem>> -> memref<2048xf32, #tpu.memory_space<vmem>>
      tpu.enqueue_dma source(%dma_start3A_88 : memref<2048xf32, #tpu.memory_space<vmem>>) target(%dma_start3A_86 : memref<2048xf32, #tpu.memory_space<hbm>>) target_semaphore(%run_scoped3A : memref<!tpu.dma_semaphore, #tpu.memory_space<semaphore_mem>>)
      %dma_wait3A_89 = arith.constant 6144 : i32
      %dma_wait3A_90 = tpu.memref_slice %arg7[%dma_wait3A_89] : memref<8192xf32, #tpu.memory_space<vmem>> -> memref<2048xf32, #tpu.memory_space<vmem>>
      %dma_wait3A_91 = tpu.memref_slice %arg4[%add3A_64] : memref<131072xf32, #tpu.memory_space<hbm>> -> memref<2048xf32, #tpu.memory_space<hbm>>
      %dma_wait3A_92 = tpu.memref_slice %arg4[%add3A_64] : memref<131072xf32, #tpu.memory_space<hbm>> -> memref<2048xf32, #tpu.memory_space<hbm>>
      %dma_wait3A_93 = arith.constant 6144 : i32
      %dma_wait3A_94 = tpu.memref_slice %arg7[%dma_wait3A_93] : memref<8192xf32, #tpu.memory_space<vmem>> -> memref<2048xf32, #tpu.memory_space<vmem>>
      tpu.wait_dma2 semaphore(%run_scoped3A : memref<!tpu.dma_semaphore, #tpu.memory_space<semaphore_mem>>) src(%dma_wait3A_94 : memref<2048xf32, #tpu.memory_space<vmem>>) dst(%dma_wait3A_92 : memref<2048xf32, #tpu.memory_space<hbm>>)
      tpu.yield
    }) : () -> ()
    %dma_wait3A_65 = arith.constant 0 : i32
    %dma_wait3A_66 = tpu.memref_slice %arg7[%dma_wait3A_65] : memref<8192xf32, #tpu.memory_space<vmem>> -> memref<2048xf32, #tpu.memory_space<vmem>>
    %dma_wait3A_67 = tpu.memref_slice %arg4[%add3A_25] : memref<131072xf32, #tpu.memory_space<hbm>> -> memref<2048xf32, #tpu.memory_space<hbm>>
    %dma_wait3A_68 = tpu.memref_slice %arg4[%add3A_25] : memref<131072xf32, #tpu.memory_space<hbm>> -> memref<2048xf32, #tpu.memory_space<hbm>>
    %dma_wait3A_69 = arith.constant 0 : i32
    %dma_wait3A_70 = tpu.memref_slice %arg7[%dma_wait3A_69] : memref<8192xf32, #tpu.memory_space<vmem>> -> memref<2048xf32, #tpu.memory_space<vmem>>
    tpu.wait_dma2 semaphore(%arg10 : memref<!tpu.dma_semaphore, #tpu.memory_space<semaphore_mem>>) src(%dma_wait3A_70 : memref<2048xf32, #tpu.memory_space<vmem>>) dst(%dma_wait3A_68 : memref<2048xf32, #tpu.memory_space<hbm>>)
    %dma_wait3A_71 = arith.constant 2048 : i32
    %dma_wait3A_72 = tpu.memref_slice %arg7[%dma_wait3A_71] : memref<8192xf32, #tpu.memory_space<vmem>> -> memref<2048xf32, #tpu.memory_space<vmem>>
    %dma_wait3A_73 = tpu.memref_slice %arg4[%add3A_38] : memref<131072xf32, #tpu.memory_space<hbm>> -> memref<2048xf32, #tpu.memory_space<hbm>>
    %dma_wait3A_74 = tpu.memref_slice %arg4[%add3A_38] : memref<131072xf32, #tpu.memory_space<hbm>> -> memref<2048xf32, #tpu.memory_space<hbm>>
    %dma_wait3A_75 = arith.constant 2048 : i32
    %dma_wait3A_76 = tpu.memref_slice %arg7[%dma_wait3A_75] : memref<8192xf32, #tpu.memory_space<vmem>> -> memref<2048xf32, #tpu.memory_space<vmem>>
    tpu.wait_dma2 semaphore(%arg10 : memref<!tpu.dma_semaphore, #tpu.memory_space<semaphore_mem>>) src(%dma_wait3A_76 : memref<2048xf32, #tpu.memory_space<vmem>>) dst(%dma_wait3A_74 : memref<2048xf32, #tpu.memory_space<hbm>>)
    %dma_wait3A_77 = arith.constant 4096 : i32
    %dma_wait3A_78 = tpu.memref_slice %arg7[%dma_wait3A_77] : memref<8192xf32, #tpu.memory_space<vmem>> -> memref<2048xf32, #tpu.memory_space<vmem>>
    %dma_wait3A_79 = tpu.memref_slice %arg4[%add3A_51] : memref<131072xf32, #tpu.memory_space<hbm>> -> memref<2048xf32, #tpu.memory_space<hbm>>
    %dma_wait3A_80 = tpu.memref_slice %arg4[%add3A_51] : memref<131072xf32, #tpu.memory_space<hbm>> -> memref<2048xf32, #tpu.memory_space<hbm>>
    %dma_wait3A_81 = arith.constant 4096 : i32
    %dma_wait3A_82 = tpu.memref_slice %arg7[%dma_wait3A_81] : memref<8192xf32, #tpu.memory_space<vmem>> -> memref<2048xf32, #tpu.memory_space<vmem>>
    tpu.wait_dma2 semaphore(%arg10 : memref<!tpu.dma_semaphore, #tpu.memory_space<semaphore_mem>>) src(%dma_wait3A_82 : memref<2048xf32, #tpu.memory_space<vmem>>) dst(%dma_wait3A_80 : memref<2048xf32, #tpu.memory_space<hbm>>)
    return
  }
}

</mosaic_0001>

<sc_bundles>
// kernel: kernel.3.cloned.1.call-start
scs
__scs_entry_jumppad:
0x0: {  	(pc) =	sbr.rel $0x88, $3  }
0x1: {  	(tag) =	ssettag $0x0;
	lr =	simm.s32 $0x1  }
0x2: {  	[smem:$0x3F9F] =	sst lr;
	_ =	strace $0xD0000000  }
0x3: {  	_ = 	snop  }
0x4: {  	_ = 	snop  }
0x5: {  	_ = 	snop  }
0x6: {  	_ = 	snop  }
0x7: {  	_ = 	snop  }
__scs_overlays_trampoline_lowered:
0x8: {  	[smem:$0x3FAE] =	sst s0  }
0x9: {  	[smem:$0x3FAF] =	sst s1  }
0xa: {  	[smem:$0x3FB0] =	sst s2  }
0xb: {  	[smem:$0x3FB1] =	sst s3  }
0xc: {  	[smem:$0x3FB2] =	sst s4  }
0xd: {  	[smem:$0x3FB3] =	sst s5  }
0xe: {  	[smem:$0x3FB4] =	sst s6  }
0xf: {  	[smem:$0x3FB5] =	sst s7  }
0x10: {  	[smem:$0x3FB6] =	sst s8  }
0x11: {  	[smem:$0x3FB7] =	sst s9;
	s0 =	simm.s32 @!p0 $0x0  }
0x12: {  	s1 =	sld [smem:$0x3F9D];
	s0 =	simm.s32 @p0 $0x1  }
0x13: {  	[smem:$0x3FB8] =	sst s0;
	s0 =	simm.s32 @!p1 $0x0  }
0x14: {  	s2 =	sld [smem:$0x3F9C];
	s0 =	simm.s32 @p1 $0x1  }
0x15: {  	[smem:$0x3FB9] =	sst s0;
	s0 =	simm.s32 @!p2 $0x0  }
0x16: {  	s3 =	sld [smem:$0x3FDB];
	s0 =	simm.s32 @p2 $0x1  }
0x17: {  	s4 =	simm.s32 $0x1BF5;
	[smem:$0x3FBB] =	sst s0  }
0x18: {  	s0 =	sld [smem:$0x3F9E];
	_ =	swait.ge [sflag:s4], $0x0  }
0x19: {  	s7 =	sld [smem:$0x3F9F]  }
0x1a: {  	s8 =	sadd.s32 $0xFFFFE003, lr  }
0x1b: {  	s9 =	sadd.s32 $0xFFFFFEF7, lr;
	s5 =	simm.s32 $0xFFFFFFFF;
	p2 =	slt.u32 s8, $0xFFFFF086  }
0x1c: {  	p1 =	slt.u32 s9, $0xF7A;
	s5 =	simm.s32 @!p2 $0x0  }
0x1d: {  	s5 =	simm.s32 @p1 $0x1;
	p0 =	seq.s32 s7, s2  }
0x1e: {  	s7 =	smul.u32 @!p0 $0xF7A, s2;
	p2 =	seq.s32 @!p0 s5, $0x0  }
0x1f: {  	s9 =	smul.u32 $0xF7A, s1;
	s8 =	simm.s32 @!p0 $0x1BF5;
	p2 =	por !p2, p0  }
0x20: {  	[sflag:s8] =	ssyncset.s32 @!p0 $0xFFFFF086;
	s6 =	sadd.s32 @!p0 s3, s7;
	s7 =	simm.s32 @!p0 $0x108  }
0x21: {  	s3 =	sadd.s32 s3, s9;
	s6 =	sadd.s32 @!p0 $0x88, s6;
	s7 =	simm.s32 @p2 $0x1082  }
0x22: {  	[simem:s7], [sflag:s8] =	dma.local @!p0 [hbm:s6], $0xF7A  }
0x23: {  	s9 =	sor.u32 $0xD0000000, s2;
	s6 =	simm.s32 $0x108;
	_ =	swait.ge @!p0 [sflag:s8], $0x0  }
0x24: {  	s3 =	sadd.s32 $0x88, s3;
	s6 =	simm.s32 @!p1 $0x1082;
	[sflag:s4] =	ssyncset.s32 $0xFFFFF086  }
0x25: {  	[simem:s6], [sflag:s4] =	dma.local [hbm:s3], $0xF7A  }
0x26: {  	[smem:$0x3F9F] =	sst s1;
	(tag) =	ssettag s2;
	_ =	strace s9  }
0x27: {  	s1 =	sld [smem:$0x3FAF]  }
0x28: {  	s2 =	sld [smem:$0x3FB0]  }
0x29: {  	s4 =	sld [smem:$0x3FB2]  }
0x2a: {  	p0 =	seq.s32 s5, $0x0;
	s5 =	sld [smem:$0x3FB3]  }
0x2b: {  	s6 =	sld [smem:$0x3FB4]  }
0x2c: {  	s7 =	sld [smem:$0x3FB5]  }
0x2d: {  	s3 =	simm.s32 $0x108;
	s8 =	sld [smem:$0x3FB6]  }
0x2e: {  	s3 =	simm.s32 @!p0 $0x1082;
	s9 =	sld [smem:$0x3FB7]  }
0x2f: {  	lr =	sadd.s32 s0, s3;
	s0 =	sld [smem:$0x3FAE]  }
0x30: {  	s3 =	sld [smem:$0x3FB1]  }
0x31: {  	[smem:$0x3FBA] =	sst s10  }
0x32: {  	s10 =	sld [smem:$0x3FB8];
	_ =	sdelay $0x3  }
0x33: {  	p0 =	seq.s32 s10, $0x1;
	s10 =	sld [smem:$0x3FBA];
	_ =	sdelay $0x3  }
0x34: {  	[smem:$0x3FBA] =	sst s10  }
0x35: {  	s10 =	sld [smem:$0x3FB9];
	_ =	sdelay $0x3  }
0x36: {  	p1 =	seq.s32 s10, $0x1;
	s10 =	sld [smem:$0x3FBA];
	_ =	sdelay $0x3  }
0x37: {  	[smem:$0x3FBA] =	sst s10  }
0x38: {  	s10 =	sld [smem:$0x3FBB]  }
0x39: {  	_ = 	snop;
	(pc) =	sbr.ind lr, $3  }
0x3a: {  	_ = 	snop  }
0x3b: {  	_ = 	snop  }
0x3c: {  	p2 =	seq.s32 s10, $0x1;
	s10 =	sld [smem:$0x3FBA]  }
0x3d: {  	_ =	shalt  }
0x3e: {  	_ =	shalt  }
0x3f: {  	_ =	shalt  }
0x40: {  	_ =	shalt  }
0x41: {  	_ =	shalt  }
0x42: {  	_ =	shalt  }
0x43: {  	_ =	shalt  }
0x44: {  	_ =	shalt  }
0x45: {  	_ =	shalt  }
0x46: {  	_ =	shalt  }
0x47: {  	_ =	shalt  }
0x48: {  	_ =	shalt  }
0x49: {  	_ =	shalt  }
0x4a: {  	_ =	shalt  }
0x4b: {  	_ =	shalt  }
0x4c: {  	_ =	shalt  }
0x4d: {  	_ =	shalt  }
0x4e: {  	_ =	shalt  }
0x4f: {  	_ =	shalt  }
0x50: {  	_ =	shalt  }
0x51: {  	_ =	shalt  }
0x52: {  	_ =	shalt  }
0x53: {  	_ =	shalt  }
0x54: {  	_ =	shalt  }
0x55: {  	_ =	shalt  }
0x56: {  	_ =	shalt  }
0x57: {  	_ =	shalt  }
0x58: {  	_ =	shalt  }
0x59: {  	_ =	shalt  }
0x5a: {  	_ =	shalt  }
0x5b: {  	_ =	shalt  }
0x5c: {  	_ =	shalt  }
0x5d: {  	_ =	shalt  }
0x5e: {  	_ =	shalt  }
0x5f: {  	_ =	shalt  }
0x60: {  	_ =	shalt  }
0x61: {  	_ =	shalt  }
0x62: {  	_ =	shalt  }
0x63: {  	_ =	shalt  }
0x64: {  	_ =	shalt  }
0x65: {  	_ =	shalt  }
0x66: {  	_ =	shalt  }
0x67: {  	_ =	shalt  }
0x68: {  	_ =	shalt  }
0x69: {  	_ =	shalt  }
0x6a: {  	_ =	shalt  }
0x6b: {  	_ =	shalt  }
0x6c: {  	_ =	shalt  }
0x6d: {  	_ =	shalt  }
0x6e: {  	_ =	shalt  }
0x6f: {  	_ =	shalt  }
0x70: {  	_ =	shalt  }
0x71: {  	_ =	shalt  }
0x72: {  	_ =	shalt  }
0x73: {  	_ =	shalt  }
0x74: {  	_ =	shalt  }
0x75: {  	_ =	shalt  }
0x76: {  	_ =	shalt  }
0x77: {  	_ =	shalt  }
0x78: {  	_ =	shalt  }
0x79: {  	_ =	shalt  }
0x7a: {  	_ =	shalt  }
0x7b: {  	_ =	shalt  }
0x7c: {  	_ =	shalt  }
0x7d: {  	_ =	shalt  }
0x7e: {  	_ =	shalt  }
0x7f: {  	_ =	shalt  }
0x80: {  	_ =	shalt  }
0x81: {  	_ =	shalt  }
0x82: {  	_ =	shalt  }
0x83: {  	_ =	shalt  }
0x84: {  	_ =	shalt  }
0x85: {  	_ =	shalt  }
0x86: {  	_ =	shalt  }
0x87: {  	_ =	shalt  }
.Lfunc_end0:
.L_simem_size_0:
called_computation_lowered:
.L_overlay_start_0:
0x88: {  	s0 =	sld [smem:$0x3FD9]  }
0x89: {  	s1 =	sld [smem:$0x3FFE];
	_ =	sdelay $0x3  }
0x8a: {  	s0 =	sadd.s32 s1, s0  }
0x8b: {  	[smem:$0x3FC6] =	sst s0  }
0x8c: {  	_ = 	snop  }
0x8d: {  	s0 =	sld [smem:$0x3FD0];
	(tm) =	ssettm $0x1  }
0x8e: {  	s16 =	sld [smem:$0x3FFB];
	_ =	sdelay $0x3  }
0x8f: {  	_ =	strace s16  }
0x90: {  	s1 =	sld [smem:$0x3FFC];
	_ =	sdelay $0x3  }
0x91: {  	_ =	strace s1  }
0x92: {  	s1 =	sld [smem:$0x3FFD];
	_ =	sdelay $0x3  }
0x93: {  	_ =	strace s1  }
0x94: {  	_ =	strace $0x8FFFFFFF  }
0x95: {  	s17 =	sld [smem:$0x3FDB];
	_ =	sdelay $0x1  }
0x96: {  	s2 =	simm.s32 $_scs_section_size  }
0x97: {  	s3 =	simm.s32 $_size__tile_overlayer_lowered;
	s4 =	simm.s32 $_tile_overlayer_lowered  }
0x98: {  	s20 =	simm.s32 $0x1BFF;
	s19 =	sshll.u32 s4, $0x1;
	s1 =	sadd.s32 s2, s17  }
0x99: {  	s5 =	simm.s32 $0x0;
	s18 =	sshll.u32 s3, $0x1;
	s3 =	sadd.s32 s19, s1  }
0x9a: {  	[timem:s5], [sflag:s20] =	dma.local [hbm:s3], s18  }
0x9b: {  	_ =	swait.ge [sflag:s20], s18  }
0x9c: {  	s2 =	ssub.s32 $0x0, s18;
	[sflag:s20] =	ssyncset.done $0x0  }
0x9d: {  	[sflag:s20] =	ssyncadd.s32 s2;
	_ =	sdelay $0x1  }
0x9e: {  	s21 =	simm.s32 $0x1B8B  }
0x9f: {  	_ =	swait.ge [sflag:s21], $0x1  }
0xa0: {  	[sflag:s21] =	ssyncset.done $0x0  }
0xa1: {  	s23 =	simm.s32 $0x1B8E;
	s22 =	sld [smem:$0x3FFE];
	[sflag:s21] =	ssyncadd.s32 $0xFFFFFFFF  }
0xa2: {  	s24 =	simm.s32 $execute0_lowered;
	[smem:$0x3FD2] =	sst s23  }
0xa3: {  	s3 =	sshll.u32 s24, $0x1;
	_ =	strace $0x80000046;
	[dreg:$0x1] =	wrdreg $0xFFFFFFFF  }
0xa4: {  	s25 =	simm.s32 $_size_execute0_lowered;
	s1 =	sadd.s32 s1, s3;
	[dreg:$0x0] =	wrdreg $0x0  }
0xa5: {  	s3 =	sshll.u32 s25, $0x1;
	[dreg:$0x2] =	wrdreg s1  }
0xa6: {  	[dreg:$0x3] =	wrdreg s3  }
0xa7: {  	[dreg:$0x4] =	wrdreg $0xC0  }
0xa8: {  	_ =	task [dreg:s5], $0x5FFFF  }
0xa9: {  	[dreg:$0x1] =	wrdreg $0xFFFFFFFF  }
0xaa: {  	[dreg:$0x0] =	wrdreg $0x60  }
0xab: {  	[dreg:$0x2] =	wrdreg s22  }
0xac: {  	[dreg:$0x3] =	wrdreg s0  }
0xad: {  	[dreg:$0x4] =	wrdreg $0x9  }
0xae: {  	_ =	task.clear_ibuf [dreg:s5], $0x5FFFF;
	_ =	strace $0x90000046  }
0xaf: {  	s26 =	simm.s32 $0x9;
	_ =	strace $0x80000048  }
0xb0: {  	_ =	swait.ge [sflag:s26], $0x1  }
0xb1: {  	[sflag:s26] =	ssyncadd.s32 $0xFFFFFFFF  }
0xb2: {  	_ =	strace $0x90000048  }
0xb3: {  	_ =	sfence  }
0xb4: {  	s28 =	sld [smem:$0x0];
	_ =	sdelay $0x1  }
0xb5: {  	s29 =	srdreg.scid  }
0xb6: {  	s30 =	sshll.u32 s29, $0xD;
	s31 =	sshrl.u32 s29, $0x2  }
0xb7: {  	s2 =	sand.u32 $0x4000, s30;
	s1 =	sand.u32 $0x1, s29;
	s0 =	sadd.s32 s31, s28  }
0xb8: {  	s1 =	sor.u32 s2, s1;
	s0 =	sshll.u32 s0, $0x11  }
0xb9: {  	s0 =	sor.u32 s0, s1  }
0xba: {  	s0 =	sadd.s32 $0x8F2B, s0  }
0xbb: {  	[sflag:s0] =	ssyncadd.remote.s32 $0x1  }
0xbc: {  	_ =	sfence.sel $0xFFFF  }
0xbd: {  	[dreg:$0x0] =	wrdreg $0xFFFFFFFF;
	(pc) =	sbr.abs _section_cstart, $3  }
0xbe: {  	[dreg:$0x1] =	wrdreg $0xFFFFFFFF  }
0xbf: {  	_ =	task.clear_ibuf [dreg:s5], $0x2FFFF;
	_ =	strace $0x9FFFFFFF  }
0xc0: {  	(tm) =	ssettm $0x7FFFFFFF  }
0xc1: {  	_ =	shalt  }
tec
execute0_lowered:
.L_overlay_start_1:
0x0: {  	(tag) =	ssettag $0x1  }
0x1: {  	s3 =	rddreg [dreg:$0x0];
	s1 =	stileid.u32  }
0x2: {  	s2 =	rddreg [dreg:$0x1];
	s4 =	simm.s32 $0x0;
	s5 =	sshll.u32 s1, $0x8  }
0x3: {  	[smem:$0x7FF] =	sst s4;
	s5 =	sadd.s32 s5, s3  }
0x4: {  	s0 =	rddreg [dreg:$0x2];
	_ =	strace $0x80000047;
	s5 =	sadd.s32 $0x600, s5  }
0x5: {  	[tilespmem:s4], [sflag:$0x1] =	stream.linear.gather [hbm4b:s5+s4], $0x800, $0x38;
	[tilespmem:$0x2880] =	vst v63  }
0x6: {  	s28 =	simm.s32 $0x2;
	s26 =	sadd.s32 $0x400, s3;
	s3 =	simm.s32 $0x800  }
0x7: {  	[tilespmem:s3], [sflag:$0x2] =	stream.linear.gather [hbm4b:s26+s4], $0x80, $0x38;
	[tilespmem:$0x2880] =	vst v63  }
0x8: {  	_ =	swait.ge [sflag:s28], $0x80  }
0x9: {  	[sflag:s28] =	ssyncset.done $0x0  }
0xa: {  	[sflag:s28] =	ssyncadd.s32 $0xFFFFFF80  }
0xb: {  	v0 =	vld [tilespmem:$0x800]  }
0xc: {  	v1 =	vld [tilespmem:$0x810];
	_ =	sdelay $0x3  }
0xd: {  	v0 =	vadd.f32 $1.000000000e+00, v0  }
0xe: {  	v1 =	vadd.f32 $1.000000000e+00, v1  }
0xf: {  	[tilespmem:$0x800] =	vst v0  }
0x10: {  	s29 =	simm.s32 $0x1;
	[tilespmem:$0x810] =	vst v1  }
0x11: {  	_ =	swait.ge [sflag:s29], $0x800  }
0x12: {  	[sflag:s29] =	ssyncset.done $0x0  }
0x13: {  	s30 =	simm.s32 $0x70;
	[sflag:s29] =	ssyncadd.s32 $0xFFFFF800  }
0x14: {  	v0 =	vld [tilespmem:s30+$0x0]  }
0x15: {  	v1 =	vld [tilespmem:s30+$0xFFFFFF90]  }
0x16: {  	v2 =	vld [tilespmem:s30+$0xFFFFFFA0]  }
0x17: {  	v3 =	vld [tilespmem:s30+$0xFFFFFFB0]  }
0x18: {  	v4 =	vld [tilespmem:s30+$0xFFFFFFC0]  }
0x19: {  	v5 =	vld [tilespmem:s30+$0xFFFFFFD0]  }
0x1a: {  	v6 =	vshll.u32 v0, $0x2;
	v7 =	vshll.u32 v1, $0x2;
	v1 =	vld [tilespmem:s30+$0xFFFFFFE0];
	_ =	sdelay $0x1  }
0x1b: {  	v8 =	vshll.u32 v2, $0x2;
	v0 =	vlaneseq.u32;
	v2 =	vld [tilespmem:s30+$0xFFFFFFF0]  }
0x1c: {  	v9 =	vshll.u32 v3, $0x2;
	v0 =	vmul.u32 $0x4, v0  }
0x1d: {  	s10 =	simm.s32 $0x1C0;
	v37 =	vshll.u32 v4, $0x2  }
0x1e: {  	s6 =	simm.s32 $0x0;
	v11 =	vshll.u32 v5, $0x2;
	v3 =	vld.idx.msk [tilespmem:v6+s3+$0x0], $0xffff;
	v12 =	vshll.u32 v1, $0x2;
	v1 =	vor.u32 s10, v0  }
0x1f: {  	s31 =	simm.s32 $0x40;
	v5 =	vor.u32 s6, v0;
	v4 =	vld.idx.msk [tilespmem:v7+s3+$0x0], $0xffff  }
0x20: {  	s8 =	simm.s32 $0x80;
	v15 =	vor.u32 s31, v0;
	v13 =	vld.idx.msk [tilespmem:v8+s3+$0x0], $0xffff;
	v17 =	vshll.u32 v2, $0x2  }
0x21: {  	s7 =	simm.s32 $0xC0;
	v14 =	vor.u32 $0x1, v6;
	v18 =	vor.u32 s8, v0;
	v16 =	vld.idx.msk [tilespmem:v9+s3+$0x0], $0xffff  }
0x22: {  	s11 =	simm.s32 $0x100;
	s4 =	simm.s32 $0x880;
	v19 =	vor.u32 $0x1, v7;
	v21 =	vor.u32 s7, v0;
	v20 =	vld.idx.msk [tilespmem:v37+s3+$0x0], $0xffff  }
0x23: {  	s9 =	simm.s32 $0x140;
	v22 =	vor.u32 $0x1, v8;
	v24 =	vor.u32 s11, v0;
	v23 =	vld.idx.msk [tilespmem:v11+s3+$0x0], $0xffff;
	[tilespmem:v1+s4+$0x0] =	vst.idx.msk $0xffff, v3  }
0x24: {  	s12 =	simm.s32 $0x180;
	v25 =	vor.u32 $0x1, v9;
	v26 =	vld.idx.msk [tilespmem:v12+s3+$0x0], $0xffff;
	v3 =	vor.u32 s9, v0;
	[tilespmem:v5+s4+$0x0] =	vst.idx.msk $0xffff, v4  }
0x25: {  	v27 =	vor.u32 $0x1, v37;
	v1 =	vor.u32 $0x41, v0;
	[tilespmem:v15+s4+$0x0] =	vst.idx.msk $0xffff, v13;
	v13 =	vld.idx.msk [tilespmem:v17+s3+$0x0], $0xffff;
	v15 =	vor.u32 s12, v0  }
0x26: {  	v38 =	vor.u32 $0x1, v0;
	v5 =	vor.u32 $0x1, v11;
	[tilespmem:v18+s4+$0x0] =	vst.idx.msk $0xffff, v16;
	v4 =	vld.idx.msk [tilespmem:v14+s3+$0x0], $0xffff;
	v14 =	vor.u32 s10, v1  }
0x27: {  	v16 =	vor.u32 $0x2, v6;
	v18 =	vor.u32 s6, v38;
	[tilespmem:v21+s4+$0x0] =	vst.idx.msk $0xffff, v20;
	v19 =	vld.idx.msk [tilespmem:v19+s3+$0x0], $0xffff  }
0x28: {  	v28 =	vor.u32 $0x1, v12;
	[tilespmem:v24+s4+$0x0] =	vst.idx.msk $0xffff, v23;
	v22 =	vld.idx.msk [tilespmem:v22+s3+$0x0], $0xffff  }
0x29: {  	v21 =	vor.u32 $0x1, v17;
	v20 =	vor.u32 s31, v1;
	v25 =	vld.idx.msk [tilespmem:v25+s3+$0x0], $0xffff;
	[tilespmem:v3+s4+$0x0] =	vst.idx.msk $0xffff, v26  }
0x2a: {  	v23 =	vor.u32 s8, v38;
	v24 =	vor.u32 $0x2, v7;
	v27 =	vld.idx.msk [tilespmem:v27+s3+$0x0], $0xffff;
	[tilespmem:v15+s4+$0x0] =	vst.idx.msk $0xffff, v13  }
0x2b: {  	v29 =	vor.u32 $0x2, v8;
	v26 =	vor.u32 s7, v1;
	v5 =	vld.idx.msk [tilespmem:v5+s3+$0x0], $0xffff;
	[tilespmem:v14+s4+$0x0] =	vst.idx.msk $0xffff, v4  }
0x2c: {  	v30 =	vor.u32 $0x2, v9;
	v3 =	vor.u32 $0x42, v0;
	v14 =	vor.u32 s11, v38;
	[tilespmem:v18+s4+$0x0] =	vst.idx.msk $0xffff, v19;
	v13 =	vld.idx.msk [tilespmem:v16+s3+$0x0], $0xffff  }
0x2d: {  	v15 =	vor.u32 $0x2, v37;
	v18 =	vor.u32 s10, v3;
	v16 =	vld.idx.msk [tilespmem:v28+s3+$0x0], $0xffff;
	[tilespmem:$0x1FFF0] =	vst v1  }
0x2e: {  	v6 =	vor.u32 $0x3, v6;
	v19 =	vor.u32 s9, v1;
	[tilespmem:v20+s4+$0x0] =	vst.idx.msk $0xffff, v22;
	v20 =	vld.idx.msk [tilespmem:v21+s3+$0x0], $0xffff  }
0x2f: {  	v4 =	vor.u32 $0x2, v0;
	v21 =	vor.u32 s12, v38;
	v22 =	vor.u32 $0x2, v11;
	v24 =	vld.idx.msk [tilespmem:v24+s3+$0x0], $0xffff;
	[tilespmem:v23+s4+$0x0] =	vst.idx.msk $0xffff, v25  }
0x30: {  	v23 =	vor.u32 s6, v4;
	v25 =	vor.u32 $0x2, v12;
	v61 =	vld.idx.msk [tilespmem:v29+s3+$0x0], $0xffff;
	[tilespmem:v26+s4+$0x0] =	vst.idx.msk $0xffff, v27  }
0x31: {  	v62 =	vld.idx.msk [tilespmem:v30+s3+$0x0], $0xffff;
	v26 =	vor.u32 s31, v3;
	v27 =	vor.u32 $0x2, v17;
	[tilespmem:v14+s4+$0x0] =	vst.idx.msk $0xffff, v5  }
0x32: {  	v7 =	vor.u32 $0x3, v7;
	v14 =	vor.u32 s8, v4;
	v63 =	vld.idx.msk [tilespmem:v15+s3+$0x0], $0xffff;
	[tilespmem:v18+s4+$0x0] =	vst.idx.msk $0xffff, v13  }
0x33: {  	v8 =	vor.u32 $0x3, v8;
	v31 =	vor.u32 s7, v3;
	v5 =	vor.u32 $0x43, v0;
	[tilespmem:v19+s4+$0x0] =	vst.idx.msk $0xffff, v16;
	v32 =	vld.idx.msk [tilespmem:v6+s3+$0x0], $0xffff  }
0x34: {  	v33 =	vor.u32 $0x3, v9;
	v35 =	vor.u32 s10, v5;
	v34 =	vld.idx.msk [tilespmem:v22+s3+$0x0], $0xffff;
	[tilespmem:v21+s4+$0x0] =	vst.idx.msk $0xffff, v20  }
0x35: {  	v36 =	vor.u32 s11, v4;
	v1 =	vor.u32 $0x3, v37;
	[tilespmem:v23+s4+$0x0] =	vst.idx.msk $0xffff, v24;
	v15 =	vld.idx.msk [tilespmem:v25+s3+$0x0], $0xffff  }
0x36: {  	v18 =	vor.u32 s12, v4;
	[tilespmem:v26+s4+$0x0] =	vst.idx.msk $0xffff, v61;
	v19 =	vld.idx.msk [tilespmem:v27+s3+$0x0], $0xffff  }
0x37: {  	v16 =	vor.u32 s31, v5;
	v6 =	vor.u32 $0x3, v0;
	v22 =	vor.u32 s9, v3;
	v26 =	vld.idx.msk [tilespmem:v7+s3+$0x0], $0xffff;
	[tilespmem:v14+s4+$0x0] =	vst.idx.msk $0xffff, v62  }
0x38: {  	v9 =	vor.u32 $0x3, v12;
	v23 =	vor.u32 s6, v6;
	v13 =	vor.u32 s8, v6;
	v20 =	vld.idx.msk [tilespmem:v8+s3+$0x0], $0xffff;
	[tilespmem:v31+s4+$0x0] =	vst.idx.msk $0xffff, v63  }
0x39: {  	v24 =	vor.u32 $0x3, v11;
	v12 =	vor.u32 s11, v6;
	v7 =	vor.u32 s12, v6;
	v21 =	vld.idx.msk [tilespmem:v33+s3+$0x0], $0xffff;
	[tilespmem:v35+s4+$0x0] =	vst.idx.msk $0xffff, v32  }
0x3a: {  	s5 =	simm.s32 $0x0;
	v11 =	vor.u32 $0x3, v17;
	s6 =	simm.s32 $0x3C0;
	v14 =	vor.u32 s7, v5;
	v8 =	vor.u32 s9, v5;
	v25 =	vld.idx.msk [tilespmem:v1+s3+$0x0], $0xffff;
	[tilespmem:v36+s4+$0x0] =	vst.idx.msk $0xffff, v34  }
.LBB2_1:
0x3b: {  	_ =	sdelay $0x2  }
0x3c: {  	v24 =	vld.idx.msk [tilespmem:v24+s3+$0x0], $0xffff  }
0x3d: {  	s14 =	sshra.s32 s6, $0x2;
	v2 =	vld [tilespmem:$0x1FFF0]  }
0x3e: {  	v17 =	vld [tilespmem:s14+$0x0]  }
0x3f: {  	v33 =	vld [tilespmem:s14+$0xFFFFFFB0]  }
0x40: {  	[tilespmem:v18+s4+$0x0] =	vst.idx.msk $0xffff, v19;
	v18 =	vld [tilespmem:s14+$0xFFFFFF90]  }
0x41: {  	[tilespmem:v22+s4+$0x0] =	vst.idx.msk $0xffff, v15;
	v22 =	vld [tilespmem:s14+$0xFFFFFFA0]  }
0x42: {  	v39 =	vld [tilespmem:s14+$0xFFFFFFD0]  }
0x43: {  	[tilespmem:v16+s4+$0x0] =	vst.idx.msk $0xffff, v20;
	v16 =	vld [tilespmem:s14+$0xFFFFFFC0];
	v40 =	vshll.u32 v17, $0x2  }
0x44: {  	[tilespmem:v12+s4+$0x0] =	vst.idx.msk $0xffff, v24;
	v9 =	vld.idx.msk [tilespmem:v9+s3+$0x0], $0xffff;
	v12 =	vshll.u32 v33, $0x2  }
0x45: {  	[tilespmem:v13+s4+$0x0] =	vst.idx.msk $0xffff, v21;
	v13 =	vshll.u32 v18, $0x2;
	v18 =	vld [tilespmem:s14+$0xFFFFFFE0]  }
0x46: {  	v41 =	vshll.u32 v22, $0x2;
	v22 =	vld [tilespmem:s14+$0xFFFFFFF0]  }
0x47: {  	v11 =	vld.idx.msk [tilespmem:v11+s3+$0x0], $0xffff;
	v24 =	vshll.u32 v39, $0x2  }
0x48: {  	s11 =	sadd.s32 $0xFFFFFEC0, s6;
	v50 =	vor.u32 s6, v0;
	v16 =	vshll.u32 v16, $0x2;
	v39 =	vld.idx.msk [tilespmem:v40+s3+$0x0], $0xffff  }
0x49: {  	s13 =	sadd.s32 $0xFFFFFE40, s6;
	v28 =	vor.u32 s11, v0;
	[tilespmem:v23+s4+$0x0] =	vst.idx.msk $0xffff, v26;
	v54 =	vor.u32 $0x1, v40;
	v55 =	vld.idx.msk [tilespmem:v12+s3+$0x0], $0xffff  }
0x4a: {  	s8 =	sadd.s32 $0xFFFFFE80, s6;
	v23 =	vor.u32 s13, v0;
	[tilespmem:v14+s4+$0x0] =	vst.idx.msk $0xffff, v25;
	v47 =	vld.idx.msk [tilespmem:v13+s3+$0x0], $0xffff;
	v49 =	vshll.u32 v18, $0x2  }
0x4b: {  	v27 =	vor.u32 s8, v0;
	[tilespmem:v8+s4+$0x0] =	vst.idx.msk $0xffff, v9;
	v51 =	vld.idx.msk [tilespmem:v41+s3+$0x0], $0xffff;
	v53 =	vshll.u32 v22, $0x2  }
0x4c: {  	s12 =	sadd.s32 $0xFFFFFF40, s6;
	v33 =	vor.u32 $0x1, v12;
	[tilespmem:v7+s4+$0x0] =	vst.idx.msk $0xffff, v11;
	v63 =	vld.idx.msk [tilespmem:v24+s3+$0x0], $0xffff  }
0x4d: {  	s7 =	sadd.s32 $0xFFFFFF00, s6;
	v26 =	vor.u32 s12, v0;
	v42 =	vor.u32 $0x1, v41;
	v59 =	vld.idx.msk [tilespmem:v16+s3+$0x0], $0xffff;
	[tilespmem:v50+s4+$0x0] =	vst.idx.msk $0xffff, v39  }
0x4e: {  	s9 =	sadd.s32 $0xFFFFFF80, s6;
	s10 =	sadd.s32 $0xFFFFFFC0, s6;
	v1 =	vor.u32 s8, v3;
	v29 =	vor.u32 s7, v0;
	[tilespmem:v28+s4+$0x0] =	vst.idx.msk $0xffff, v55;
	v39 =	vld.idx.msk [tilespmem:v54+s3+$0x0], $0xffff  }
0x4f: {  	v30 =	vor.u32 s9, v0;
	v31 =	vor.u32 s10, v0;
	v14 =	vor.u32 $0x1, v13;
	v10 =	vld.idx.msk [tilespmem:v49+s3+$0x0], $0xffff;
	[tilespmem:v23+s4+$0x0] =	vst.idx.msk $0xffff, v47  }
0x50: {  	v48 =	vor.u32 $0x1, v24;
	v45 =	vor.u32 $0x1, v16;
	[tilespmem:v27+s4+$0x0] =	vst.idx.msk $0xffff, v51;
	v27 =	vld.idx.msk [tilespmem:v53+s3+$0x0], $0xffff;
	v47 =	vor.u32 s6, v2  }
0x51: {  	[tilespmem:$0x1FFD0] =	vst v1;
	v58 =	vor.u32 $0x1, v53;
	v60 =	vor.u32 $0x2, v53;
	v11 =	vor.u32 $0x3, v53;
	v53 =	vld.idx.msk [tilespmem:v33+s3+$0x0], $0xffff  }
0x52: {  	v19 =	vor.u32 s11, v38;
	v15 =	vor.u32 s8, v2;
	[tilespmem:v26+s4+$0x0] =	vst.idx.msk $0xffff, v63;
	v51 =	vor.u32 $0x2, v40;
	v42 =	vld.idx.msk [tilespmem:v42+s3+$0x0], $0xffff  }
0x53: {  	v34 =	vor.u32 s7, v2;
	v36 =	vor.u32 s9, v2;
	v43 =	vor.u32 $0x2, v41;
	[tilespmem:v29+s4+$0x0] =	vst.idx.msk $0xffff, v59;
	v2 =	vld [tilespmem:$0x1FFD0]  }
0x54: {  	v32 =	vor.u32 s13, v38;
	v52 =	vor.u32 $0x1, v49;
	v54 =	vld.idx.msk [tilespmem:v14+s3+$0x0], $0xffff;
	[tilespmem:v30+s4+$0x0] =	vst.idx.msk $0xffff, v10  }
0x55: {  	v26 =	vld.idx.msk [tilespmem:v45+s3+$0x0], $0xffff;
	[tilespmem:v47+s4+$0x0] =	vst.idx.msk $0xffff, v39  }
0x56: {  	v44 =	vor.u32 $0x2, v12;
	v10 =	vld.idx.msk [tilespmem:v48+s3+$0x0], $0xffff;
	[tilespmem:v31+s4+$0x0] =	vst.idx.msk $0xffff, v27  }
0x57: {  	v25 =	vor.u32 $0x2, v13;
	v27 =	vld.idx.msk [tilespmem:v51+s3+$0x0], $0xffff;
	[tilespmem:v15+s4+$0x0] =	vst.idx.msk $0xffff, v42  }
0x58: {  	[tilespmem:v19+s4+$0x0] =	vst.idx.msk $0xffff, v53;
	v19 =	vld.idx.msk [tilespmem:v43+s3+$0x0], $0xffff  }
0x59: {  	v35 =	vor.u32 s12, v38;
	v46 =	vor.u32 $0x2, v16;
	[tilespmem:v32+s4+$0x0] =	vst.idx.msk $0xffff, v54;
	v54 =	vld.idx.msk [tilespmem:v52+s3+$0x0], $0xffff  }
0x5a: {  	v1 =	vor.u32 s11, v4;
	v56 =	vor.u32 $0x2, v24;
	v55 =	vor.u32 s6, v3;
	v15 =	vld.idx.msk [tilespmem:v58+s3+$0x0], $0xffff  }
0x5b: {  	[tilespmem:$0x1FFE0] =	vst v1;
	v58 =	vor.u32 $0x3, v40;
	v29 =	vld.idx.msk [tilespmem:v44+s3+$0x0], $0xffff  }
0x5c: {  	v37 =	vor.u32 s10, v38;
	v57 =	vor.u32 $0x2, v49;
	[tilespmem:v34+s4+$0x0] =	vst.idx.msk $0xffff, v26;
	v25 =	vld.idx.msk [tilespmem:v25+s3+$0x0], $0xffff  }
0x5d: {  	v20 =	vor.u32 s13, v4;
	[tilespmem:v2+s4+$0x0] =	vst.idx.msk $0xffff, v19;
	v2 =	vld [tilespmem:$0x1FFE0]  }
0x5e: {  	v21 =	vor.u32 s7, v3;
	v61 =	vor.u32 $0x3, v13;
	[tilespmem:v35+s4+$0x0] =	vst.idx.msk $0xffff, v10;
	v10 =	vld.idx.msk [tilespmem:v46+s3+$0x0], $0xffff  }
0x5f: {  	v17 =	vor.u32 s12, v4;
	v41 =	vor.u32 $0x3, v41;
	[tilespmem:v55+s4+$0x0] =	vst.idx.msk $0xffff, v27;
	v59 =	vld.idx.msk [tilespmem:v56+s3+$0x0], $0xffff  }
0x60: {  	s5 =	sadd.s32 $0x8, s5;
	v1 =	vor.u32 $0x3, v16;
	[tilespmem:v36+s4+$0x0] =	vst.idx.msk $0xffff, v54;
	v27 =	vld.idx.msk [tilespmem:v58+s3+$0x0], $0xffff  }
0x61: {  	p0 =	slt.u32 s5, $0x18;
	v62 =	vor.u32 $0x3, v12;
	v63 =	vor.u32 s6, v5;
	[tilespmem:v37+s4+$0x0] =	vst.idx.msk $0xffff, v15;
	v15 =	vld.idx.msk [tilespmem:v57+s3+$0x0], $0xffff  }
.Ltmp0:
0x62: {  	[tilespmem:v20+s4+$0x0] =	vst.idx.msk $0xffff, v25;
	v19 =	vld.idx.msk [tilespmem:v60+s3+$0x0], $0xffff;
	(pc) =	sbr.rel @p0 .LBB2_1-.Ltmp0, $4  }
0x63: {  	v8 =	vor.u32 s9, v5;
	v12 =	vor.u32 s12, v6;
	v26 =	vld.idx.msk [tilespmem:v61+s3+$0x0], $0xffff;
	[tilespmem:v21+s4+$0x0] =	vst.idx.msk $0xffff, v10  }
0x64: {  	v7 =	vor.u32 s10, v6;
	v22 =	vor.u32 s9, v3;
	v18 =	vor.u32 s10, v4;
	v20 =	vld.idx.msk [tilespmem:v41+s3+$0x0], $0xffff;
	[tilespmem:v17+s4+$0x0] =	vst.idx.msk $0xffff, v59  }
0x65: {  	v24 =	vor.u32 $0x3, v24;
	v16 =	vor.u32 s8, v5;
	v13 =	vor.u32 s11, v6;
	v25 =	vld.idx.msk [tilespmem:v1+s3+$0x0], $0xffff;
	[tilespmem:v2+s4+$0x0] =	vst.idx.msk $0xffff, v29  }
0x66: {  	v9 =	vor.u32 $0x3, v49;
	v23 =	vor.u32 s13, v6;
	s6 =	sadd.s32 $0x200, s6;
	v14 =	vor.u32 s7, v5;
	[tilespmem:v63+s4+$0x0] =	vst.idx.msk $0xffff, v27;
	v21 =	vld.idx.msk [tilespmem:v62+s3+$0x0], $0xffff  }
0x67: {  	_ =	sdelay $0x3  }
0x68: {  	[tilespmem:v22+s4+$0x0] =	vst.idx.msk $0xffff, v15  }
0x69: {  	v0 =	vld.idx.msk [tilespmem:v24+s3+$0x0], $0xffff;
	[tilespmem:v18+s4+$0x0] =	vst.idx.msk $0xffff, v19  }
0x6a: {  	[tilespmem:v23+s4+$0x0] =	vst.idx.msk $0xffff, v26;
	v1 =	vld.idx.msk [tilespmem:v9+s3+$0x0], $0xffff  }
0x6b: {  	v2 =	vld.idx.msk [tilespmem:v11+s3+$0x0], $0xffff;
	[tilespmem:v16+s4+$0x0] =	vst.idx.msk $0xffff, v20  }
0x6c: {  	[tilespmem:v14+s4+$0x0] =	vst.idx.msk $0xffff, v25  }
0x6d: {  	[tilespmem:v13+s4+$0x0] =	vst.idx.msk $0xffff, v21  }
0x6e: {  	[tilespmem:v12+s4+$0x0] =	vst.idx.msk $0xffff, v0  }
0x6f: {  	s6 =	simm.s32 $0x0;
	s3 =	sshll.u32 s1, $0xA;
	[tilespmem:v8+s4+$0x0] =	vst.idx.msk $0xffff, v1  }
0x70: {  	s30 =	simm.s32 $0x270;
	s5 =	sadd.s32 s2, s3;
	[tilespmem:v7+s4+$0x0] =	vst.idx.msk $0xffff, v2;
	s4 =	simm.s32 $0x880  }
0x71: {  	[hbm4b:s5+s6] =	stream.linear.scatter [tilespmem:s4], [sflag:$0x3], $0x800, $0x38;
	[tilespmem:$0x2880] =	vst v63  }
0x72: {  	v0 =	vld [tilespmem:s30+$0x0]  }
0x73: {  	v1 =	vld [tilespmem:s30+$0xFFFFFF90]  }
0x74: {  	v2 =	vld [tilespmem:s30+$0xFFFFFFA0]  }
0x75: {  	v3 =	vld [tilespmem:s30+$0xFFFFFFB0]  }
0x76: {  	v4 =	vld [tilespmem:s30+$0xFFFFFFC0]  }
0x77: {  	v5 =	vld [tilespmem:s30+$0xFFFFFFD0]  }
0x78: {  	v6 =	vshll.u32 v0, $0x2;
	v7 =	vshll.u32 v1, $0x2;
	v1 =	vld [tilespmem:s30+$0xFFFFFFE0];
	_ =	sdelay $0x1  }
0x79: {  	v8 =	vshll.u32 v2, $0x2;
	v0 =	vlaneseq.u32;
	v2 =	vld [tilespmem:s30+$0xFFFFFFF0]  }
0x7a: {  	v9 =	vshll.u32 v3, $0x2;
	v0 =	vmul.u32 $0x4, v0  }
0x7b: {  	s11 =	simm.s32 $0x9C0;
	s5 =	simm.s32 $0x800;
	v37 =	vshll.u32 v4, $0x2  }
0x7c: {  	s7 =	simm.s32 $0x800;
	v11 =	vshll.u32 v5, $0x2;
	v3 =	vld.idx.msk [tilespmem:v6+s5+$0x0], $0xffff;
	v12 =	vshll.u32 v1, $0x2;
	v1 =	vor.u32 s11, v0  }
0x7d: {  	s31 =	simm.s32 $0x840;
	v5 =	vor.u32 s7, v0;
	v4 =	vld.idx.msk [tilespmem:v7+s5+$0x0], $0xffff  }
0x7e: {  	s9 =	simm.s32 $0x880;
	v15 =	vor.u32 s31, v0;
	v13 =	vld.idx.msk [tilespmem:v8+s5+$0x0], $0xffff;
	v17 =	vshll.u32 v2, $0x2  }
0x7f: {  	s8 =	simm.s32 $0x8C0;
	v14 =	vor.u32 $0x1, v6;
	v18 =	vor.u32 s9, v0;
	v16 =	vld.idx.msk [tilespmem:v9+s5+$0x0], $0xffff  }
0x80: {  	s12 =	simm.s32 $0x900;
	v19 =	vor.u32 $0x1, v7;
	v21 =	vor.u32 s8, v0;
	v20 =	vld.idx.msk [tilespmem:v37+s5+$0x0], $0xffff  }
0x81: {  	s10 =	simm.s32 $0x940;
	v22 =	vor.u32 $0x1, v8;
	v24 =	vor.u32 s12, v0;
	v23 =	vld.idx.msk [tilespmem:v11+s5+$0x0], $0xffff;
	[tilespmem:v1+s4+$0x0] =	vst.idx.msk $0xffff, v3  }
0x82: {  	s13 =	simm.s32 $0x980;
	v25 =	vor.u32 $0x1, v9;
	v26 =	vld.idx.msk [tilespmem:v12+s5+$0x0], $0xffff;
	v3 =	vor.u32 s10, v0;
	[tilespmem:v5+s4+$0x0] =	vst.idx.msk $0xffff, v4  }
0x83: {  	v27 =	vor.u32 $0x1, v37;
	v1 =	vor.u32 $0x41, v0;
	[tilespmem:v15+s4+$0x0] =	vst.idx.msk $0xffff, v13;
	v13 =	vld.idx.msk [tilespmem:v17+s5+$0x0], $0xffff;
	v15 =	vor.u32 s13, v0  }
0x84: {  	v38 =	vor.u32 $0x1, v0;
	v5 =	vor.u32 $0x1, v11;
	[tilespmem:v18+s4+$0x0] =	vst.idx.msk $0xffff, v16;
	v4 =	vld.idx.msk [tilespmem:v14+s5+$0x0], $0xffff;
	v14 =	vor.u32 s11, v1  }
0x85: {  	v16 =	vor.u32 $0x2, v6;
	v18 =	vor.u32 s7, v38;
	[tilespmem:v21+s4+$0x0] =	vst.idx.msk $0xffff, v20;
	v19 =	vld.idx.msk [tilespmem:v19+s5+$0x0], $0xffff  }
0x86: {  	v28 =	vor.u32 $0x1, v12;
	[tilespmem:v24+s4+$0x0] =	vst.idx.msk $0xffff, v23;
	v22 =	vld.idx.msk [tilespmem:v22+s5+$0x0], $0xffff  }
0x87: {  	v21 =	vor.u32 $0x1, v17;
	v20 =	vor.u32 s31, v1;
	v25 =	vld.idx.msk [tilespmem:v25+s5+$0x0], $0xffff;
	[tilespmem:v3+s4+$0x0] =	vst.idx.msk $0xffff, v26  }
0x88: {  	v23 =	vor.u32 s9, v38;
	v24 =	vor.u32 $0x2, v7;
	v27 =	vld.idx.msk [tilespmem:v27+s5+$0x0], $0xffff;
	[tilespmem:v15+s4+$0x0] =	vst.idx.msk $0xffff, v13  }
0x89: {  	v29 =	vor.u32 $0x2, v8;
	v26 =	vor.u32 s8, v1;
	v5 =	vld.idx.msk [tilespmem:v5+s5+$0x0], $0xffff;
	[tilespmem:v14+s4+$0x0] =	vst.idx.msk $0xffff, v4  }
0x8a: {  	v30 =	vor.u32 $0x2, v9;
	v3 =	vor.u32 $0x42, v0;
	v14 =	vor.u32 s12, v38;
	[tilespmem:v18+s4+$0x0] =	vst.idx.msk $0xffff, v19;
	v13 =	vld.idx.msk [tilespmem:v16+s5+$0x0], $0xffff  }
0x8b: {  	v15 =	vor.u32 $0x2, v37;
	v18 =	vor.u32 s11, v3;
	v16 =	vld.idx.msk [tilespmem:v28+s5+$0x0], $0xffff;
	[tilespmem:$0x1FFC0] =	vst v1  }
0x8c: {  	v6 =	vor.u32 $0x3, v6;
	v19 =	vor.u32 s10, v1;
	[tilespmem:v20+s4+$0x0] =	vst.idx.msk $0xffff, v22;
	v20 =	vld.idx.msk [tilespmem:v21+s5+$0x0], $0xffff  }
0x8d: {  	v4 =	vor.u32 $0x2, v0;
	v21 =	vor.u32 s13, v38;
	v22 =	vor.u32 $0x2, v11;
	v24 =	vld.idx.msk [tilespmem:v24+s5+$0x0], $0xffff;
	[tilespmem:v23+s4+$0x0] =	vst.idx.msk $0xffff, v25  }
0x8e: {  	v23 =	vor.u32 s7, v4;
	v25 =	vor.u32 $0x2, v12;
	v61 =	vld.idx.msk [tilespmem:v29+s5+$0x0], $0xffff;
	[tilespmem:v26+s4+$0x0] =	vst.idx.msk $0xffff, v27  }
0x8f: {  	v62 =	vld.idx.msk [tilespmem:v30+s5+$0x0], $0xffff;
	v26 =	vor.u32 s31, v3;
	v27 =	vor.u32 $0x2, v17;
	[tilespmem:v14+s4+$0x0] =	vst.idx.msk $0xffff, v5  }
0x90: {  	v7 =	vor.u32 $0x3, v7;
	v14 =	vor.u32 s9, v4;
	v63 =	vld.idx.msk [tilespmem:v15+s5+$0x0], $0xffff;
	[tilespmem:v18+s4+$0x0] =	vst.idx.msk $0xffff, v13  }
0x91: {  	v8 =	vor.u32 $0x3, v8;
	v31 =	vor.u32 s8, v3;
	v5 =	vor.u32 $0x43, v0;
	[tilespmem:v19+s4+$0x0] =	vst.idx.msk $0xffff, v16;
	v32 =	vld.idx.msk [tilespmem:v6+s5+$0x0], $0xffff  }
0x92: {  	v33 =	vor.u32 $0x3, v9;
	v35 =	vor.u32 s11, v5;
	v34 =	vld.idx.msk [tilespmem:v22+s5+$0x0], $0xffff;
	[tilespmem:v21+s4+$0x0] =	vst.idx.msk $0xffff, v20  }
0x93: {  	v36 =	vor.u32 s12, v4;
	v1 =	vor.u32 $0x3, v37;
	[tilespmem:v23+s4+$0x0] =	vst.idx.msk $0xffff, v24;
	v15 =	vld.idx.msk [tilespmem:v25+s5+$0x0], $0xffff  }
0x94: {  	v18 =	vor.u32 s13, v4;
	[tilespmem:v26+s4+$0x0] =	vst.idx.msk $0xffff, v61;
	v19 =	vld.idx.msk [tilespmem:v27+s5+$0x0], $0xffff  }
0x95: {  	v16 =	vor.u32 s31, v5;
	v6 =	vor.u32 $0x3, v0;
	v22 =	vor.u32 s10, v3;
	v26 =	vld.idx.msk [tilespmem:v7+s5+$0x0], $0xffff;
	[tilespmem:v14+s4+$0x0] =	vst.idx.msk $0xffff, v62  }
0x96: {  	v9 =	vor.u32 $0x3, v12;
	v23 =	vor.u32 s7, v6;
	v13 =	vor.u32 s9, v6;
	v20 =	vld.idx.msk [tilespmem:v8+s5+$0x0], $0xffff;
	[tilespmem:v31+s4+$0x0] =	vst.idx.msk $0xffff, v63  }
0x97: {  	v24 =	vor.u32 $0x3, v11;
	v12 =	vor.u32 s12, v6;
	v7 =	vor.u32 s13, v6;
	v21 =	vld.idx.msk [tilespmem:v33+s5+$0x0], $0xffff;
	[tilespmem:v35+s4+$0x0] =	vst.idx.msk $0xffff, v32  }
0x98: {  	s6 =	simm.s32 $0x20;
	v11 =	vor.u32 $0x3, v17;
	s7 =	simm.s32 $0xBC0;
	v14 =	vor.u32 s8, v5;
	v8 =	vor.u32 s10, v5;
	v25 =	vld.idx.msk [tilespmem:v1+s5+$0x0], $0xffff;
	[tilespmem:v36+s4+$0x0] =	vst.idx.msk $0xffff, v34  }
.LBB2_3:
0x99: {  	_ =	sdelay $0x2  }
0x9a: {  	v24 =	vld.idx.msk [tilespmem:v24+s5+$0x0], $0xffff  }
0x9b: {  	s15 =	sshra.s32 s7, $0x2;
	v2 =	vld [tilespmem:$0x1FFC0]  }
0x9c: {  	v17 =	vld [tilespmem:s15+$0x0]  }
0x9d: {  	v33 =	vld [tilespmem:s15+$0xFFFFFFB0]  }
0x9e: {  	[tilespmem:v18+s4+$0x0] =	vst.idx.msk $0xffff, v19;
	v18 =	vld [tilespmem:s15+$0xFFFFFF90]  }
0x9f: {  	[tilespmem:v22+s4+$0x0] =	vst.idx.msk $0xffff, v15;
	v22 =	vld [tilespmem:s15+$0xFFFFFFA0]  }
0xa0: {  	v39 =	vld [tilespmem:s15+$0xFFFFFFD0]  }
0xa1: {  	[tilespmem:v16+s4+$0x0] =	vst.idx.msk $0xffff, v20;
	v16 =	vld [tilespmem:s15+$0xFFFFFFC0];
	v40 =	vshll.u32 v17, $0x2  }
0xa2: {  	[tilespmem:v12+s4+$0x0] =	vst.idx.msk $0xffff, v24;
	v9 =	vld.idx.msk [tilespmem:v9+s5+$0x0], $0xffff;
	v12 =	vshll.u32 v33, $0x2  }
0xa3: {  	[tilespmem:v13+s4+$0x0] =	vst.idx.msk $0xffff, v21;
	v13 =	vshll.u32 v18, $0x2;
	v18 =	vld [tilespmem:s15+$0xFFFFFFE0]  }
0xa4: {  	v41 =	vshll.u32 v22, $0x2;
	v22 =	vld [tilespmem:s15+$0xFFFFFFF0]  }
0xa5: {  	v11 =	vld.idx.msk [tilespmem:v11+s5+$0x0], $0xffff;
	v24 =	vshll.u32 v39, $0x2  }
0xa6: {  	s12 =	sadd.s32 $0xFFFFFEC0, s7;
	v50 =	vor.u32 s7, v0;
	v16 =	vshll.u32 v16, $0x2;
	v39 =	vld.idx.msk [tilespmem:v40+s5+$0x0], $0xffff  }
0xa7: {  	s14 =	sadd.s32 $0xFFFFFE40, s7;
	v28 =	vor.u32 s12, v0;
	[tilespmem:v23+s4+$0x0] =	vst.idx.msk $0xffff, v26;
	v54 =	vor.u32 $0x1, v40;
	v55 =	vld.idx.msk [tilespmem:v12+s5+$0x0], $0xffff  }
0xa8: {  	s9 =	sadd.s32 $0xFFFFFE80, s7;
	v23 =	vor.u32 s14, v0;
	[tilespmem:v14+s4+$0x0] =	vst.idx.msk $0xffff, v25;
	v47 =	vld.idx.msk [tilespmem:v13+s5+$0x0], $0xffff;
	v49 =	vshll.u32 v18, $0x2  }
0xa9: {  	v27 =	vor.u32 s9, v0;
	[tilespmem:v8+s4+$0x0] =	vst.idx.msk $0xffff, v9;
	v51 =	vld.idx.msk [tilespmem:v41+s5+$0x0], $0xffff;
	v53 =	vshll.u32 v22, $0x2  }
0xaa: {  	s13 =	sadd.s32 $0xFFFFFF40, s7;
	v33 =	vor.u32 $0x1, v12;
	[tilespmem:v7+s4+$0x0] =	vst.idx.msk $0xffff, v11;
	v63 =	vld.idx.msk [tilespmem:v24+s5+$0x0], $0xffff  }
0xab: {  	s8 =	sadd.s32 $0xFFFFFF00, s7;
	v26 =	vor.u32 s13, v0;
	v42 =	vor.u32 $0x1, v41;
	v59 =	vld.idx.msk [tilespmem:v16+s5+$0x0], $0xffff;
	[tilespmem:v50+s4+$0x0] =	vst.idx.msk $0xffff, v39  }
0xac: {  	s10 =	sadd.s32 $0xFFFFFF80, s7;
	s11 =	sadd.s32 $0xFFFFFFC0, s7;
	v1 =	vor.u32 s9, v3;
	v29 =	vor.u32 s8, v0;
	[tilespmem:v28+s4+$0x0] =	vst.idx.msk $0xffff, v55;
	v39 =	vld.idx.msk [tilespmem:v54+s5+$0x0], $0xffff  }
0xad: {  	v30 =	vor.u32 s10, v0;
	v31 =	vor.u32 s11, v0;
	v14 =	vor.u32 $0x1, v13;
	v10 =	vld.idx.msk [tilespmem:v49+s5+$0x0], $0xffff;
	[tilespmem:v23+s4+$0x0] =	vst.idx.msk $0xffff, v47  }
0xae: {  	v48 =	vor.u32 $0x1, v24;
	v45 =	vor.u32 $0x1, v16;
	[tilespmem:v27+s4+$0x0] =	vst.idx.msk $0xffff, v51;
	v27 =	vld.idx.msk [tilespmem:v53+s5+$0x0], $0xffff;
	v47 =	vor.u32 s7, v2  }
0xaf: {  	[tilespmem:$0x1FFA0] =	vst v1;
	v58 =	vor.u32 $0x1, v53;
	v60 =	vor.u32 $0x2, v53;
	v11 =	vor.u32 $0x3, v53;
	v53 =	vld.idx.msk [tilespmem:v33+s5+$0x0], $0xffff  }
0xb0: {  	v19 =	vor.u32 s12, v38;
	v15 =	vor.u32 s9, v2;
	[tilespmem:v26+s4+$0x0] =	vst.idx.msk $0xffff, v63;
	v51 =	vor.u32 $0x2, v40;
	v42 =	vld.idx.msk [tilespmem:v42+s5+$0x0], $0xffff  }
0xb1: {  	v34 =	vor.u32 s8, v2;
	v36 =	vor.u32 s10, v2;
	v43 =	vor.u32 $0x2, v41;
	[tilespmem:v29+s4+$0x0] =	vst.idx.msk $0xffff, v59;
	v2 =	vld [tilespmem:$0x1FFA0]  }
0xb2: {  	v32 =	vor.u32 s14, v38;
	v52 =	vor.u32 $0x1, v49;
	v54 =	vld.idx.msk [tilespmem:v14+s5+$0x0], $0xffff;
	[tilespmem:v30+s4+$0x0] =	vst.idx.msk $0xffff, v10  }
0xb3: {  	v26 =	vld.idx.msk [tilespmem:v45+s5+$0x0], $0xffff;
	[tilespmem:v47+s4+$0x0] =	vst.idx.msk $0xffff, v39  }
0xb4: {  	v44 =	vor.u32 $0x2, v12;
	v10 =	vld.idx.msk [tilespmem:v48+s5+$0x0], $0xffff;
	[tilespmem:v31+s4+$0x0] =	vst.idx.msk $0xffff, v27  }
0xb5: {  	v25 =	vor.u32 $0x2, v13;
	v27 =	vld.idx.msk [tilespmem:v51+s5+$0x0], $0xffff;
	[tilespmem:v15+s4+$0x0] =	vst.idx.msk $0xffff, v42  }
0xb6: {  	[tilespmem:v19+s4+$0x0] =	vst.idx.msk $0xffff, v53;
	v19 =	vld.idx.msk [tilespmem:v43+s5+$0x0], $0xffff  }
0xb7: {  	v35 =	vor.u32 s13, v38;
	v46 =	vor.u32 $0x2, v16;
	[tilespmem:v32+s4+$0x0] =	vst.idx.msk $0xffff, v54;
	v54 =	vld.idx.msk [tilespmem:v52+s5+$0x0], $0xffff  }
0xb8: {  	v1 =	vor.u32 s12, v4;
	v56 =	vor.u32 $0x2, v24;
	v55 =	vor.u32 s7, v3;
	v15 =	vld.idx.msk [tilespmem:v58+s5+$0x0], $0xffff  }
0xb9: {  	[tilespmem:$0x1FFB0] =	vst v1;
	v58 =	vor.u32 $0x3, v40;
	v29 =	vld.idx.msk [tilespmem:v44+s5+$0x0], $0xffff  }
0xba: {  	v37 =	vor.u32 s11, v38;
	v57 =	vor.u32 $0x2, v49;
	[tilespmem:v34+s4+$0x0] =	vst.idx.msk $0xffff, v26;
	v25 =	vld.idx.msk [tilespmem:v25+s5+$0x0], $0xffff  }
0xbb: {  	v20 =	vor.u32 s14, v4;
	[tilespmem:v2+s4+$0x0] =	vst.idx.msk $0xffff, v19;
	v2 =	vld [tilespmem:$0x1FFB0]  }
0xbc: {  	v21 =	vor.u32 s8, v3;
	v61 =	vor.u32 $0x3, v13;
	[tilespmem:v35+s4+$0x0] =	vst.idx.msk $0xffff, v10;
	v10 =	vld.idx.msk [tilespmem:v46+s5+$0x0], $0xffff  }
0xbd: {  	v17 =	vor.u32 s13, v4;
	v41 =	vor.u32 $0x3, v41;
	[tilespmem:v55+s4+$0x0] =	vst.idx.msk $0xffff, v27;
	v59 =	vld.idx.msk [tilespmem:v56+s5+$0x0], $0xffff  }
0xbe: {  	s6 =	sadd.s32 $0x8, s6;
	v1 =	vor.u32 $0x3, v16;
	[tilespmem:v36+s4+$0x0] =	vst.idx.msk $0xffff, v54;
	v27 =	vld.idx.msk [tilespmem:v58+s5+$0x0], $0xffff  }
0xbf: {  	p0 =	slt.u32 s6, $0x38;
	v62 =	vor.u32 $0x3, v12;
	v63 =	vor.u32 s7, v5;
	[tilespmem:v37+s4+$0x0] =	vst.idx.msk $0xffff, v15;
	v15 =	vld.idx.msk [tilespmem:v57+s5+$0x0], $0xffff  }
.Ltmp1:
0xc0: {  	[tilespmem:v20+s4+$0x0] =	vst.idx.msk $0xffff, v25;
	v19 =	vld.idx.msk [tilespmem:v60+s5+$0x0], $0xffff;
	(pc) =	sbr.rel @p0 .LBB2_3-.Ltmp1, $4  }
0xc1: {  	v8 =	vor.u32 s10, v5;
	v12 =	vor.u32 s13, v6;
	v26 =	vld.idx.msk [tilespmem:v61+s5+$0x0], $0xffff;
	[tilespmem:v21+s4+$0x0] =	vst.idx.msk $0xffff, v10  }
0xc2: {  	v7 =	vor.u32 s11, v6;
	v22 =	vor.u32 s10, v3;
	v18 =	vor.u32 s11, v4;
	v20 =	vld.idx.msk [tilespmem:v41+s5+$0x0], $0xffff;
	[tilespmem:v17+s4+$0x0] =	vst.idx.msk $0xffff, v59  }
0xc3: {  	v24 =	vor.u32 $0x3, v24;
	v16 =	vor.u32 s9, v5;
	v13 =	vor.u32 s12, v6;
	v25 =	vld.idx.msk [tilespmem:v1+s5+$0x0], $0xffff;
	[tilespmem:v2+s4+$0x0] =	vst.idx.msk $0xffff, v29  }
0xc4: {  	v9 =	vor.u32 $0x3, v49;
	v23 =	vor.u32 s14, v6;
	s7 =	sadd.s32 $0x200, s7;
	v14 =	vor.u32 s8, v5;
	[tilespmem:v63+s4+$0x0] =	vst.idx.msk $0xffff, v27;
	v21 =	vld.idx.msk [tilespmem:v62+s5+$0x0], $0xffff  }
0xc5: {  	_ =	sdelay $0x3  }
0xc6: {  	[tilespmem:v22+s4+$0x0] =	vst.idx.msk $0xffff, v15  }
0xc7: {  	v0 =	vld.idx.msk [tilespmem:v24+s5+$0x0], $0xffff;
	[tilespmem:v18+s4+$0x0] =	vst.idx.msk $0xffff, v19  }
0xc8: {  	[tilespmem:v23+s4+$0x0] =	vst.idx.msk $0xffff, v26;
	v1 =	vld.idx.msk [tilespmem:v9+s5+$0x0], $0xffff  }
0xc9: {  	v2 =	vld.idx.msk [tilespmem:v11+s5+$0x0], $0xffff;
	[tilespmem:v16+s4+$0x0] =	vst.idx.msk $0xffff, v20  }
0xca: {  	[tilespmem:v14+s4+$0x0] =	vst.idx.msk $0xffff, v25  }
0xcb: {  	[tilespmem:v13+s4+$0x0] =	vst.idx.msk $0xffff, v21  }
0xcc: {  	[tilespmem:v12+s4+$0x0] =	vst.idx.msk $0xffff, v0  }
0xcd: {  	s2 =	sadd.s32 s3, s2;
	s28 =	simm.s32 $0x0;
	[tilespmem:v8+s4+$0x0] =	vst.idx.msk $0xffff, v1  }
0xce: {  	s29 =	simm.s32 $0x1080;
	s30 =	simm.s32 $0x470;
	s3 =	sadd.s32 $0x100, s2;
	[tilespmem:v7+s4+$0x0] =	vst.idx.msk $0xffff, v2  }
0xcf: {  	[hbm4b:s3+s28] =	stream.linear.scatter [tilespmem:s29], [sflag:$0x3], $0x800, $0x38;
	[tilespmem:$0x2880] =	vst v63  }
0xd0: {  	v0 =	vld [tilespmem:s30+$0x0]  }
0xd1: {  	v1 =	vld [tilespmem:s30+$0xFFFFFF90]  }
0xd2: {  	v2 =	vld [tilespmem:s30+$0xFFFFFFA0]  }
0xd3: {  	v3 =	vld [tilespmem:s30+$0xFFFFFFB0]  }
0xd4: {  	v4 =	vld [tilespmem:s30+$0xFFFFFFC0]  }
0xd5: {  	v5 =	vld [tilespmem:s30+$0xFFFFFFD0]  }
0xd6: {  	v6 =	vshll.u32 v0, $0x2;
	v7 =	vshll.u32 v1, $0x2;
	v1 =	vld [tilespmem:s30+$0xFFFFFFE0];
	_ =	sdelay $0x1  }
0xd7: {  	v8 =	vshll.u32 v2, $0x2;
	v0 =	vlaneseq.u32;
	v2 =	vld [tilespmem:s30+$0xFFFFFFF0]  }
0xd8: {  	v9 =	vshll.u32 v3, $0x2;
	v0 =	vmul.u32 $0x4, v0  }
0xd9: {  	s10 =	simm.s32 $0x11C0;
	s3 =	simm.s32 $0x800;
	v37 =	vshll.u32 v4, $0x2  }
0xda: {  	s6 =	simm.s32 $0x1000;
	v11 =	vshll.u32 v5, $0x2;
	v3 =	vld.idx.msk [tilespmem:v6+s3+$0x0], $0xffff;
	v12 =	vshll.u32 v1, $0x2;
	v1 =	vor.u32 s10, v0  }
0xdb: {  	s31 =	simm.s32 $0x1040;
	v5 =	vor.u32 s6, v0;
	v4 =	vld.idx.msk [tilespmem:v7+s3+$0x0], $0xffff  }
0xdc: {  	s8 =	simm.s32 $0x1080;
	v15 =	vor.u32 s31, v0;
	v13 =	vld.idx.msk [tilespmem:v8+s3+$0x0], $0xffff;
	v17 =	vshll.u32 v2, $0x2  }
0xdd: {  	s7 =	simm.s32 $0x10C0;
	v14 =	vor.u32 $0x1, v6;
	v18 =	vor.u32 s8, v0;
	v16 =	vld.idx.msk [tilespmem:v9+s3+$0x0], $0xffff  }
0xde: {  	s11 =	simm.s32 $0x1100;
	s4 =	simm.s32 $0x880;
	v19 =	vor.u32 $0x1, v7;
	v21 =	vor.u32 s7, v0;
	v20 =	vld.idx.msk [tilespmem:v37+s3+$0x0], $0xffff  }
0xdf: {  	s9 =	simm.s32 $0x1140;
	v22 =	vor.u32 $0x1, v8;
	v24 =	vor.u32 s11, v0;
	v23 =	vld.idx.msk [tilespmem:v11+s3+$0x0], $0xffff;
	[tilespmem:v1+s4+$0x0] =	vst.idx.msk $0xffff, v3  }
0xe0: {  	s12 =	simm.s32 $0x1180;
	v25 =	vor.u32 $0x1, v9;
	v26 =	vld.idx.msk [tilespmem:v12+s3+$0x0], $0xffff;
	v3 =	vor.u32 s9, v0;
	[tilespmem:v5+s4+$0x0] =	vst.idx.msk $0xffff, v4  }
0xe1: {  	v27 =	vor.u32 $0x1, v37;
	v1 =	vor.u32 $0x41, v0;
	[tilespmem:v15+s4+$0x0] =	vst.idx.msk $0xffff, v13;
	v13 =	vld.idx.msk [tilespmem:v17+s3+$0x0], $0xffff;
	v15 =	vor.u32 s12, v0  }
0xe2: {  	v38 =	vor.u32 $0x1, v0;
	v5 =	vor.u32 $0x1, v11;
	[tilespmem:v18+s4+$0x0] =	vst.idx.msk $0xffff, v16;
	v4 =	vld.idx.msk [tilespmem:v14+s3+$0x0], $0xffff;
	v14 =	vor.u32 s10, v1  }
0xe3: {  	v16 =	vor.u32 $0x2, v6;
	v18 =	vor.u32 s6, v38;
	[tilespmem:v21+s4+$0x0] =	vst.idx.msk $0xffff, v20;
	v19 =	vld.idx.msk [tilespmem:v19+s3+$0x0], $0xffff  }
0xe4: {  	v28 =	vor.u32 $0x1, v12;
	[tilespmem:v24+s4+$0x0] =	vst.idx.msk $0xffff, v23;
	v22 =	vld.idx.msk [tilespmem:v22+s3+$0x0], $0xffff  }
0xe5: {  	v21 =	vor.u32 $0x1, v17;
	v20 =	vor.u32 s31, v1;
	v25 =	vld.idx.msk [tilespmem:v25+s3+$0x0], $0xffff;
	[tilespmem:v3+s4+$0x0] =	vst.idx.msk $0xffff, v26  }
0xe6: {  	v23 =	vor.u32 s8, v38;
	v24 =	vor.u32 $0x2, v7;
	v27 =	vld.idx.msk [tilespmem:v27+s3+$0x0], $0xffff;
	[tilespmem:v15+s4+$0x0] =	vst.idx.msk $0xffff, v13  }
0xe7: {  	v29 =	vor.u32 $0x2, v8;
	v26 =	vor.u32 s7, v1;
	v5 =	vld.idx.msk [tilespmem:v5+s3+$0x0], $0xffff;
	[tilespmem:v14+s4+$0x0] =	vst.idx.msk $0xffff, v4  }
0xe8: {  	v30 =	vor.u32 $0x2, v9;
	v3 =	vor.u32 $0x42, v0;
	v14 =	vor.u32 s11, v38;
	[tilespmem:v18+s4+$0x0] =	vst.idx.msk $0xffff, v19;
	v13 =	vld.idx.msk [tilespmem:v16+s3+$0x0], $0xffff  }
0xe9: {  	v15 =	vor.u32 $0x2, v37;
	v18 =	vor.u32 s10, v3;
	v16 =	vld.idx.msk [tilespmem:v28+s3+$0x0], $0xffff;
	[tilespmem:$0x1FF90] =	vst v1  }
0xea: {  	v6 =	vor.u32 $0x3, v6;
	v19 =	vor.u32 s9, v1;
	[tilespmem:v20+s4+$0x0] =	vst.idx.msk $0xffff, v22;
	v20 =	vld.idx.msk [tilespmem:v21+s3+$0x0], $0xffff  }
0xeb: {  	v4 =	vor.u32 $0x2, v0;
	v21 =	vor.u32 s12, v38;
	v22 =	vor.u32 $0x2, v11;
	v24 =	vld.idx.msk [tilespmem:v24+s3+$0x0], $0xffff;
	[tilespmem:v23+s4+$0x0] =	vst.idx.msk $0xffff, v25  }
0xec: {  	v23 =	vor.u32 s6, v4;
	v25 =	vor.u32 $0x2, v12;
	v61 =	vld.idx.msk [tilespmem:v29+s3+$0x0], $0xffff;
	[tilespmem:v26+s4+$0x0] =	vst.idx.msk $0xffff, v27  }
0xed: {  	v62 =	vld.idx.msk [tilespmem:v30+s3+$0x0], $0xffff;
	v26 =	vor.u32 s31, v3;
	v27 =	vor.u32 $0x2, v17;
	[tilespmem:v14+s4+$0x0] =	vst.idx.msk $0xffff, v5  }
0xee: {  	v7 =	vor.u32 $0x3, v7;
	v14 =	vor.u32 s8, v4;
	v63 =	vld.idx.msk [tilespmem:v15+s3+$0x0], $0xffff;
	[tilespmem:v18+s4+$0x0] =	vst.idx.msk $0xffff, v13  }
0xef: {  	v8 =	vor.u32 $0x3, v8;
	v31 =	vor.u32 s7, v3;
	v5 =	vor.u32 $0x43, v0;
	[tilespmem:v19+s4+$0x0] =	vst.idx.msk $0xffff, v16;
	v32 =	vld.idx.msk [tilespmem:v6+s3+$0x0], $0xffff  }
0xf0: {  	v33 =	vor.u32 $0x3, v9;
	v35 =	vor.u32 s10, v5;
	v34 =	vld.idx.msk [tilespmem:v22+s3+$0x0], $0xffff;
	[tilespmem:v21+s4+$0x0] =	vst.idx.msk $0xffff, v20  }
0xf1: {  	v36 =	vor.u32 s11, v4;
	v1 =	vor.u32 $0x3, v37;
	[tilespmem:v23+s4+$0x0] =	vst.idx.msk $0xffff, v24;
	v15 =	vld.idx.msk [tilespmem:v25+s3+$0x0], $0xffff  }
0xf2: {  	v18 =	vor.u32 s12, v4;
	[tilespmem:v26+s4+$0x0] =	vst.idx.msk $0xffff, v61;
	v19 =	vld.idx.msk [tilespmem:v27+s3+$0x0], $0xffff  }
0xf3: {  	v16 =	vor.u32 s31, v5;
	v6 =	vor.u32 $0x3, v0;
	v22 =	vor.u32 s9, v3;
	v26 =	vld.idx.msk [tilespmem:v7+s3+$0x0], $0xffff;
	[tilespmem:v14+s4+$0x0] =	vst.idx.msk $0xffff, v62  }
0xf4: {  	v9 =	vor.u32 $0x3, v12;
	v23 =	vor.u32 s6, v6;
	v13 =	vor.u32 s8, v6;
	v20 =	vld.idx.msk [tilespmem:v8+s3+$0x0], $0xffff;
	[tilespmem:v31+s4+$0x0] =	vst.idx.msk $0xffff, v63  }
0xf5: {  	v24 =	vor.u32 $0x3, v11;
	v12 =	vor.u32 s11, v6;
	v7 =	vor.u32 s12, v6;
	v21 =	vld.idx.msk [tilespmem:v33+s3+$0x0], $0xffff;
	[tilespmem:v35+s4+$0x0] =	vst.idx.msk $0xffff, v32  }
0xf6: {  	s5 =	simm.s32 $0x40;
	v11 =	vor.u32 $0x3, v17;
	s6 =	simm.s32 $0x13C0;
	v14 =	vor.u32 s7, v5;
	v8 =	vor.u32 s9, v5;
	v25 =	vld.idx.msk [tilespmem:v1+s3+$0x0], $0xffff;
	[tilespmem:v36+s4+$0x0] =	vst.idx.msk $0xffff, v34  }
.LBB2_5:
0xf7: {  	_ =	sdelay $0x2  }
0xf8: {  	v24 =	vld.idx.msk [tilespmem:v24+s3+$0x0], $0xffff  }
0xf9: {  	s14 =	sshra.s32 s6, $0x2;
	v2 =	vld [tilespmem:$0x1FF90]  }
0xfa: {  	v17 =	vld [tilespmem:s14+$0x0]  }
0xfb: {  	v33 =	vld [tilespmem:s14+$0xFFFFFFB0]  }
0xfc: {  	[tilespmem:v18+s4+$0x0] =	vst.idx.msk $0xffff, v19;
	v18 =	vld [tilespmem:s14+$0xFFFFFF90]  }
0xfd: {  	[tilespmem:v22+s4+$0x0] =	vst.idx.msk $0xffff, v15;
	v22 =	vld [tilespmem:s14+$0xFFFFFFA0]  }
0xfe: {  	v39 =	vld [tilespmem:s14+$0xFFFFFFD0]  }
0xff: {  	[tilespmem:v16+s4+$0x0] =	vst.idx.msk $0xffff, v20;
	v16 =	vld [tilespmem:s14+$0xFFFFFFC0];
	v40 =	vshll.u32 v17, $0x2  }
0x100: {  	[tilespmem:v12+s4+$0x0] =	vst.idx.msk $0xffff, v24;
	v9 =	vld.idx.msk [tilespmem:v9+s3+$0x0], $0xffff;
	v12 =	vshll.u32 v33, $0x2  }
0x101: {  	[tilespmem:v13+s4+$0x0] =	vst.idx.msk $0xffff, v21;
	v13 =	vshll.u32 v18, $0x2;
	v18 =	vld [tilespmem:s14+$0xFFFFFFE0]  }
0x102: {  	v41 =	vshll.u32 v22, $0x2;
	v22 =	vld [tilespmem:s14+$0xFFFFFFF0]  }
0x103: {  	v11 =	vld.idx.msk [tilespmem:v11+s3+$0x0], $0xffff;
	v24 =	vshll.u32 v39, $0x2  }
0x104: {  	s11 =	sadd.s32 $0xFFFFFEC0, s6;
	v50 =	vor.u32 s6, v0;
	v16 =	vshll.u32 v16, $0x2;
	v39 =	vld.idx.msk [tilespmem:v40+s3+$0x0], $0xffff  }
0x105: {  	s13 =	sadd.s32 $0xFFFFFE40, s6;
	v28 =	vor.u32 s11, v0;
	[tilespmem:v23+s4+$0x0] =	vst.idx.msk $0xffff, v26;
	v54 =	vor.u32 $0x1, v40;
	v55 =	vld.idx.msk [tilespmem:v12+s3+$0x0], $0xffff  }
0x106: {  	s8 =	sadd.s32 $0xFFFFFE80, s6;
	v23 =	vor.u32 s13, v0;
	[tilespmem:v14+s4+$0x0] =	vst.idx.msk $0xffff, v25;
	v47 =	vld.idx.msk [tilespmem:v13+s3+$0x0], $0xffff;
	v49 =	vshll.u32 v18, $0x2  }
0x107: {  	v27 =	vor.u32 s8, v0;
	[tilespmem:v8+s4+$0x0] =	vst.idx.msk $0xffff, v9;
	v51 =	vld.idx.msk [tilespmem:v41+s3+$0x0], $0xffff;
	v53 =	vshll.u32 v22, $0x2  }
0x108: {  	s12 =	sadd.s32 $0xFFFFFF40, s6;
	v33 =	vor.u32 $0x1, v12;
	[tilespmem:v7+s4+$0x0] =	vst.idx.msk $0xffff, v11;
	v63 =	vld.idx.msk [tilespmem:v24+s3+$0x0], $0xffff  }
0x109: {  	s7 =	sadd.s32 $0xFFFFFF00, s6;
	v26 =	vor.u32 s12, v0;
	v42 =	vor.u32 $0x1, v41;
	v59 =	vld.idx.msk [tilespmem:v16+s3+$0x0], $0xffff;
	[tilespmem:v50+s4+$0x0] =	vst.idx.msk $0xffff, v39  }
0x10a: {  	s9 =	sadd.s32 $0xFFFFFF80, s6;
	s10 =	sadd.s32 $0xFFFFFFC0, s6;
	v1 =	vor.u32 s8, v3;
	v29 =	vor.u32 s7, v0;
	[tilespmem:v28+s4+$0x0] =	vst.idx.msk $0xffff, v55;
	v39 =	vld.idx.msk [tilespmem:v54+s3+$0x0], $0xffff  }
0x10b: {  	v30 =	vor.u32 s9, v0;
	v31 =	vor.u32 s10, v0;
	v14 =	vor.u32 $0x1, v13;
	v10 =	vld.idx.msk [tilespmem:v49+s3+$0x0], $0xffff;
	[tilespmem:v23+s4+$0x0] =	vst.idx.msk $0xffff, v47  }
0x10c: {  	v48 =	vor.u32 $0x1, v24;
	v45 =	vor.u32 $0x1, v16;
	[tilespmem:v27+s4+$0x0] =	vst.idx.msk $0xffff, v51;
	v27 =	vld.idx.msk [tilespmem:v53+s3+$0x0], $0xffff;
	v47 =	vor.u32 s6, v2  }
0x10d: {  	[tilespmem:$0x1FF70] =	vst v1;
	v58 =	vor.u32 $0x1, v53;
	v60 =	vor.u32 $0x2, v53;
	v11 =	vor.u32 $0x3, v53;
	v53 =	vld.idx.msk [tilespmem:v33+s3+$0x0], $0xffff  }
0x10e: {  	v19 =	vor.u32 s11, v38;
	v15 =	vor.u32 s8, v2;
	[tilespmem:v26+s4+$0x0] =	vst.idx.msk $0xffff, v63;
	v51 =	vor.u32 $0x2, v40;
	v42 =	vld.idx.msk [tilespmem:v42+s3+$0x0], $0xffff  }
0x10f: {  	v34 =	vor.u32 s7, v2;
	v36 =	vor.u32 s9, v2;
	v43 =	vor.u32 $0x2, v41;
	[tilespmem:v29+s4+$0x0] =	vst.idx.msk $0xffff, v59;
	v2 =	vld [tilespmem:$0x1FF70]  }
0x110: {  	v32 =	vor.u32 s13, v38;
	v52 =	vor.u32 $0x1, v49;
	v54 =	vld.idx.msk [tilespmem:v14+s3+$0x0], $0xffff;
	[tilespmem:v30+s4+$0x0] =	vst.idx.msk $0xffff, v10  }
0x111: {  	v26 =	vld.idx.msk [tilespmem:v45+s3+$0x0], $0xffff;
	[tilespmem:v47+s4+$0x0] =	vst.idx.msk $0xffff, v39  }
0x112: {  	v44 =	vor.u32 $0x2, v12;
	v10 =	vld.idx.msk [tilespmem:v48+s3+$0x0], $0xffff;
	[tilespmem:v31+s4+$0x0] =	vst.idx.msk $0xffff, v27  }
0x113: {  	v25 =	vor.u32 $0x2, v13;
	v27 =	vld.idx.msk [tilespmem:v51+s3+$0x0], $0xffff;
	[tilespmem:v15+s4+$0x0] =	vst.idx.msk $0xffff, v42  }
0x114: {  	[tilespmem:v19+s4+$0x0] =	vst.idx.msk $0xffff, v53;
	v19 =	vld.idx.msk [tilespmem:v43+s3+$0x0], $0xffff  }
0x115: {  	v35 =	vor.u32 s12, v38;
	v46 =	vor.u32 $0x2, v16;
	[tilespmem:v32+s4+$0x0] =	vst.idx.msk $0xffff, v54;
	v54 =	vld.idx.msk [tilespmem:v52+s3+$0x0], $0xffff  }
0x116: {  	v1 =	vor.u32 s11, v4;
	v56 =	vor.u32 $0x2, v24;
	v55 =	vor.u32 s6, v3;
	v15 =	vld.idx.msk [tilespmem:v58+s3+$0x0], $0xffff  }
0x117: {  	[tilespmem:$0x1FF80] =	vst v1;
	v58 =	vor.u32 $0x3, v40;
	v29 =	vld.idx.msk [tilespmem:v44+s3+$0x0], $0xffff  }
0x118: {  	v37 =	vor.u32 s10, v38;
	v57 =	vor.u32 $0x2, v49;
	[tilespmem:v34+s4+$0x0] =	vst.idx.msk $0xffff, v26;
	v25 =	vld.idx.msk [tilespmem:v25+s3+$0x0], $0xffff  }
0x119: {  	v20 =	vor.u32 s13, v4;
	[tilespmem:v2+s4+$0x0] =	vst.idx.msk $0xffff, v19;
	v2 =	vld [tilespmem:$0x1FF80]  }
0x11a: {  	v21 =	vor.u32 s7, v3;
	v61 =	vor.u32 $0x3, v13;
	[tilespmem:v35+s4+$0x0] =	vst.idx.msk $0xffff, v10;
	v10 =	vld.idx.msk [tilespmem:v46+s3+$0x0], $0xffff  }
0x11b: {  	v17 =	vor.u32 s12, v4;
	v41 =	vor.u32 $0x3, v41;
	[tilespmem:v55+s4+$0x0] =	vst.idx.msk $0xffff, v27;
	v59 =	vld.idx.msk [tilespmem:v56+s3+$0x0], $0xffff  }
0x11c: {  	s5 =	sadd.s32 $0x8, s5;
	v1 =	vor.u32 $0x3, v16;
	[tilespmem:v36+s4+$0x0] =	vst.idx.msk $0xffff, v54;
	v27 =	vld.idx.msk [tilespmem:v58+s3+$0x0], $0xffff  }
0x11d: {  	p0 =	slt.u32 s5, $0x58;
	v62 =	vor.u32 $0x3, v12;
	v63 =	vor.u32 s6, v5;
	[tilespmem:v37+s4+$0x0] =	vst.idx.msk $0xffff, v15;
	v15 =	vld.idx.msk [tilespmem:v57+s3+$0x0], $0xffff  }
.Ltmp2:
0x11e: {  	[tilespmem:v20+s4+$0x0] =	vst.idx.msk $0xffff, v25;
	v19 =	vld.idx.msk [tilespmem:v60+s3+$0x0], $0xffff;
	(pc) =	sbr.rel @p0 .LBB2_5-.Ltmp2, $4  }
0x11f: {  	v8 =	vor.u32 s9, v5;
	v12 =	vor.u32 s12, v6;
	v26 =	vld.idx.msk [tilespmem:v61+s3+$0x0], $0xffff;
	[tilespmem:v21+s4+$0x0] =	vst.idx.msk $0xffff, v10  }
0x120: {  	v7 =	vor.u32 s10, v6;
	v22 =	vor.u32 s9, v3;
	v18 =	vor.u32 s10, v4;
	v20 =	vld.idx.msk [tilespmem:v41+s3+$0x0], $0xffff;
	[tilespmem:v17+s4+$0x0] =	vst.idx.msk $0xffff, v59  }
0x121: {  	v24 =	vor.u32 $0x3, v24;
	v16 =	vor.u32 s8, v5;
	v13 =	vor.u32 s11, v6;
	v25 =	vld.idx.msk [tilespmem:v1+s3+$0x0], $0xffff;
	[tilespmem:v2+s4+$0x0] =	vst.idx.msk $0xffff, v29  }
0x122: {  	v9 =	vor.u32 $0x3, v49;
	v23 =	vor.u32 s13, v6;
	s6 =	sadd.s32 $0x200, s6;
	v14 =	vor.u32 s7, v5;
	[tilespmem:v63+s4+$0x0] =	vst.idx.msk $0xffff, v27;
	v21 =	vld.idx.msk [tilespmem:v62+s3+$0x0], $0xffff  }
0x123: {  	_ =	sdelay $0x3  }
0x124: {  	[tilespmem:v22+s4+$0x0] =	vst.idx.msk $0xffff, v15  }
0x125: {  	v0 =	vld.idx.msk [tilespmem:v24+s3+$0x0], $0xffff;
	[tilespmem:v18+s4+$0x0] =	vst.idx.msk $0xffff, v19  }
0x126: {  	[tilespmem:v23+s4+$0x0] =	vst.idx.msk $0xffff, v26;
	v1 =	vld.idx.msk [tilespmem:v9+s3+$0x0], $0xffff  }
0x127: {  	v2 =	vld.idx.msk [tilespmem:v11+s3+$0x0], $0xffff;
	[tilespmem:v16+s4+$0x0] =	vst.idx.msk $0xffff, v20  }
0x128: {  	[tilespmem:v14+s4+$0x0] =	vst.idx.msk $0xffff, v25  }
0x129: {  	[tilespmem:v13+s4+$0x0] =	vst.idx.msk $0xffff, v21  }
0x12a: {  	[tilespmem:v12+s4+$0x0] =	vst.idx.msk $0xffff, v0  }
0x12b: {  	s28 =	sadd.s32 $0x200, s2;
	[tilespmem:v8+s4+$0x0] =	vst.idx.msk $0xffff, v1  }
0x12c: {  	s29 =	simm.s32 $0x0;
	s5 =	simm.s32 $0x1880;
	s30 =	simm.s32 $0x670;
	[tilespmem:v7+s4+$0x0] =	vst.idx.msk $0xffff, v2  }
0x12d: {  	[hbm4b:s28+s29] =	stream.linear.scatter [tilespmem:s5], [sflag:$0x3], $0x800, $0x38;
	[tilespmem:$0x2880] =	vst v63  }
0x12e: {  	v0 =	vld [tilespmem:s30+$0x0]  }
0x12f: {  	v1 =	vld [tilespmem:s30+$0xFFFFFF90]  }
0x130: {  	v2 =	vld [tilespmem:s30+$0xFFFFFFA0]  }
0x131: {  	v3 =	vld [tilespmem:s30+$0xFFFFFFB0]  }
0x132: {  	v4 =	vld [tilespmem:s30+$0xFFFFFFC0]  }
0x133: {  	v5 =	vld [tilespmem:s30+$0xFFFFFFD0]  }
0x134: {  	v6 =	vshll.u32 v0, $0x2;
	v7 =	vshll.u32 v1, $0x2;
	v1 =	vld [tilespmem:s30+$0xFFFFFFE0];
	_ =	sdelay $0x1  }
0x135: {  	v8 =	vshll.u32 v2, $0x2;
	v0 =	vlaneseq.u32;
	v2 =	vld [tilespmem:s30+$0xFFFFFFF0]  }
0x136: {  	v9 =	vshll.u32 v3, $0x2;
	v0 =	vmul.u32 $0x4, v0  }
0x137: {  	s10 =	simm.s32 $0x19C0;
	s3 =	simm.s32 $0x800;
	v37 =	vshll.u32 v4, $0x2  }
0x138: {  	s6 =	simm.s32 $0x1800;
	v11 =	vshll.u32 v5, $0x2;
	v3 =	vld.idx.msk [tilespmem:v6+s3+$0x0], $0xffff;
	v12 =	vshll.u32 v1, $0x2;
	v1 =	vor.u32 s10, v0  }
0x139: {  	s31 =	simm.s32 $0x1840;
	v5 =	vor.u32 s6, v0;
	v4 =	vld.idx.msk [tilespmem:v7+s3+$0x0], $0xffff  }
0x13a: {  	s8 =	simm.s32 $0x1880;
	v15 =	vor.u32 s31, v0;
	v13 =	vld.idx.msk [tilespmem:v8+s3+$0x0], $0xffff;
	v17 =	vshll.u32 v2, $0x2  }
0x13b: {  	s7 =	simm.s32 $0x18C0;
	v14 =	vor.u32 $0x1, v6;
	v18 =	vor.u32 s8, v0;
	v16 =	vld.idx.msk [tilespmem:v9+s3+$0x0], $0xffff  }
0x13c: {  	s11 =	simm.s32 $0x1900;
	s4 =	simm.s32 $0x880;
	v19 =	vor.u32 $0x1, v7;
	v21 =	vor.u32 s7, v0;
	v20 =	vld.idx.msk [tilespmem:v37+s3+$0x0], $0xffff  }
0x13d: {  	s9 =	simm.s32 $0x1940;
	v22 =	vor.u32 $0x1, v8;
	v24 =	vor.u32 s11, v0;
	v23 =	vld.idx.msk [tilespmem:v11+s3+$0x0], $0xffff;
	[tilespmem:v1+s4+$0x0] =	vst.idx.msk $0xffff, v3  }
0x13e: {  	s12 =	simm.s32 $0x1980;
	v25 =	vor.u32 $0x1, v9;
	v26 =	vld.idx.msk [tilespmem:v12+s3+$0x0], $0xffff;
	v3 =	vor.u32 s9, v0;
	[tilespmem:v5+s4+$0x0] =	vst.idx.msk $0xffff, v4  }
0x13f: {  	v27 =	vor.u32 $0x1, v37;
	v1 =	vor.u32 $0x41, v0;
	[tilespmem:v15+s4+$0x0] =	vst.idx.msk $0xffff, v13;
	v13 =	vld.idx.msk [tilespmem:v17+s3+$0x0], $0xffff;
	v15 =	vor.u32 s12, v0  }
0x140: {  	v38 =	vor.u32 $0x1, v0;
	v5 =	vor.u32 $0x1, v11;
	[tilespmem:v18+s4+$0x0] =	vst.idx.msk $0xffff, v16;
	v4 =	vld.idx.msk [tilespmem:v14+s3+$0x0], $0xffff;
	v14 =	vor.u32 s10, v1  }
0x141: {  	v16 =	vor.u32 $0x2, v6;
	v18 =	vor.u32 s6, v38;
	[tilespmem:v21+s4+$0x0] =	vst.idx.msk $0xffff, v20;
	v19 =	vld.idx.msk [tilespmem:v19+s3+$0x0], $0xffff  }
0x142: {  	v28 =	vor.u32 $0x1, v12;
	[tilespmem:v24+s4+$0x0] =	vst.idx.msk $0xffff, v23;
	v22 =	vld.idx.msk [tilespmem:v22+s3+$0x0], $0xffff  }
0x143: {  	v21 =	vor.u32 $0x1, v17;
	v20 =	vor.u32 s31, v1;
	v25 =	vld.idx.msk [tilespmem:v25+s3+$0x0], $0xffff;
	[tilespmem:v3+s4+$0x0] =	vst.idx.msk $0xffff, v26  }
0x144: {  	v23 =	vor.u32 s8, v38;
	v24 =	vor.u32 $0x2, v7;
	v27 =	vld.idx.msk [tilespmem:v27+s3+$0x0], $0xffff;
	[tilespmem:v15+s4+$0x0] =	vst.idx.msk $0xffff, v13  }
0x145: {  	v29 =	vor.u32 $0x2, v8;
	v26 =	vor.u32 s7, v1;
	v5 =	vld.idx.msk [tilespmem:v5+s3+$0x0], $0xffff;
	[tilespmem:v14+s4+$0x0] =	vst.idx.msk $0xffff, v4  }
0x146: {  	v30 =	vor.u32 $0x2, v9;
	v3 =	vor.u32 $0x42, v0;
	v14 =	vor.u32 s11, v38;
	[tilespmem:v18+s4+$0x0] =	vst.idx.msk $0xffff, v19;
	v13 =	vld.idx.msk [tilespmem:v16+s3+$0x0], $0xffff  }
0x147: {  	v15 =	vor.u32 $0x2, v37;
	v18 =	vor.u32 s10, v3;
	v16 =	vld.idx.msk [tilespmem:v28+s3+$0x0], $0xffff;
	[tilespmem:$0x1FF60] =	vst v1  }
0x148: {  	v6 =	vor.u32 $0x3, v6;
	v19 =	vor.u32 s9, v1;
	[tilespmem:v20+s4+$0x0] =	vst.idx.msk $0xffff, v22;
	v20 =	vld.idx.msk [tilespmem:v21+s3+$0x0], $0xffff  }
0x149: {  	v4 =	vor.u32 $0x2, v0;
	v21 =	vor.u32 s12, v38;
	v22 =	vor.u32 $0x2, v11;
	v24 =	vld.idx.msk [tilespmem:v24+s3+$0x0], $0xffff;
	[tilespmem:v23+s4+$0x0] =	vst.idx.msk $0xffff, v25  }
0x14a: {  	v23 =	vor.u32 s6, v4;
	v25 =	vor.u32 $0x2, v12;
	v61 =	vld.idx.msk [tilespmem:v29+s3+$0x0], $0xffff;
	[tilespmem:v26+s4+$0x0] =	vst.idx.msk $0xffff, v27  }
0x14b: {  	v62 =	vld.idx.msk [tilespmem:v30+s3+$0x0], $0xffff;
	v26 =	vor.u32 s31, v3;
	v27 =	vor.u32 $0x2, v17;
	[tilespmem:v14+s4+$0x0] =	vst.idx.msk $0xffff, v5  }
0x14c: {  	v7 =	vor.u32 $0x3, v7;
	v14 =	vor.u32 s8, v4;
	v63 =	vld.idx.msk [tilespmem:v15+s3+$0x0], $0xffff;
	[tilespmem:v18+s4+$0x0] =	vst.idx.msk $0xffff, v13  }
0x14d: {  	v8 =	vor.u32 $0x3, v8;
	v31 =	vor.u32 s7, v3;
	v5 =	vor.u32 $0x43, v0;
	[tilespmem:v19+s4+$0x0] =	vst.idx.msk $0xffff, v16;
	v32 =	vld.idx.msk [tilespmem:v6+s3+$0x0], $0xffff  }
0x14e: {  	v33 =	vor.u32 $0x3, v9;
	v35 =	vor.u32 s10, v5;
	v34 =	vld.idx.msk [tilespmem:v22+s3+$0x0], $0xffff;
	[tilespmem:v21+s4+$0x0] =	vst.idx.msk $0xffff, v20  }
0x14f: {  	v36 =	vor.u32 s11, v4;
	v1 =	vor.u32 $0x3, v37;
	[tilespmem:v23+s4+$0x0] =	vst.idx.msk $0xffff, v24;
	v15 =	vld.idx.msk [tilespmem:v25+s3+$0x0], $0xffff  }
0x150: {  	v18 =	vor.u32 s12, v4;
	[tilespmem:v26+s4+$0x0] =	vst.idx.msk $0xffff, v61;
	v19 =	vld.idx.msk [tilespmem:v27+s3+$0x0], $0xffff  }
0x151: {  	v16 =	vor.u32 s31, v5;
	v6 =	vor.u32 $0x3, v0;
	v22 =	vor.u32 s9, v3;
	v26 =	vld.idx.msk [tilespmem:v7+s3+$0x0], $0xffff;
	[tilespmem:v14+s4+$0x0] =	vst.idx.msk $0xffff, v62  }
0x152: {  	v9 =	vor.u32 $0x3, v12;
	v23 =	vor.u32 s6, v6;
	v13 =	vor.u32 s8, v6;
	v20 =	vld.idx.msk [tilespmem:v8+s3+$0x0], $0xffff;
	[tilespmem:v31+s4+$0x0] =	vst.idx.msk $0xffff, v63  }
0x153: {  	v24 =	vor.u32 $0x3, v11;
	v12 =	vor.u32 s11, v6;
	v7 =	vor.u32 s12, v6;
	v21 =	vld.idx.msk [tilespmem:v33+s3+$0x0], $0xffff;
	[tilespmem:v35+s4+$0x0] =	vst.idx.msk $0xffff, v32  }
0x154: {  	s5 =	simm.s32 $0x60;
	v11 =	vor.u32 $0x3, v17;
	s6 =	simm.s32 $0x1BC0;
	v14 =	vor.u32 s7, v5;
	v8 =	vor.u32 s9, v5;
	v25 =	vld.idx.msk [tilespmem:v1+s3+$0x0], $0xffff;
	[tilespmem:v36+s4+$0x0] =	vst.idx.msk $0xffff, v34  }
.LBB2_7:
0x155: {  	_ =	sdelay $0x2  }
0x156: {  	v24 =	vld.idx.msk [tilespmem:v24+s3+$0x0], $0xffff  }
0x157: {  	s14 =	sshra.s32 s6, $0x2;
	v2 =	vld [tilespmem:$0x1FF60]  }
0x158: {  	v17 =	vld [tilespmem:s14+$0x0]  }
0x159: {  	v33 =	vld [tilespmem:s14+$0xFFFFFFB0]  }
0x15a: {  	[tilespmem:v18+s4+$0x0] =	vst.idx.msk $0xffff, v19;
	v18 =	vld [tilespmem:s14+$0xFFFFFF90]  }
0x15b: {  	[tilespmem:v22+s4+$0x0] =	vst.idx.msk $0xffff, v15;
	v22 =	vld [tilespmem:s14+$0xFFFFFFA0]  }
0x15c: {  	v39 =	vld [tilespmem:s14+$0xFFFFFFD0]  }
0x15d: {  	[tilespmem:v16+s4+$0x0] =	vst.idx.msk $0xffff, v20;
	v16 =	vld [tilespmem:s14+$0xFFFFFFC0];
	v40 =	vshll.u32 v17, $0x2  }
0x15e: {  	[tilespmem:v12+s4+$0x0] =	vst.idx.msk $0xffff, v24;
	v9 =	vld.idx.msk [tilespmem:v9+s3+$0x0], $0xffff;
	v12 =	vshll.u32 v33, $0x2  }
0x15f: {  	[tilespmem:v13+s4+$0x0] =	vst.idx.msk $0xffff, v21;
	v13 =	vshll.u32 v18, $0x2;
	v18 =	vld [tilespmem:s14+$0xFFFFFFE0]  }
0x160: {  	v41 =	vshll.u32 v22, $0x2;
	v22 =	vld [tilespmem:s14+$0xFFFFFFF0]  }
0x161: {  	v11 =	vld.idx.msk [tilespmem:v11+s3+$0x0], $0xffff;
	v24 =	vshll.u32 v39, $0x2  }
0x162: {  	s11 =	sadd.s32 $0xFFFFFEC0, s6;
	v50 =	vor.u32 s6, v0;
	v16 =	vshll.u32 v16, $0x2;
	v39 =	vld.idx.msk [tilespmem:v40+s3+$0x0], $0xffff  }
0x163: {  	s13 =	sadd.s32 $0xFFFFFE40, s6;
	v28 =	vor.u32 s11, v0;
	[tilespmem:v23+s4+$0x0] =	vst.idx.msk $0xffff, v26;
	v54 =	vor.u32 $0x1, v40;
	v55 =	vld.idx.msk [tilespmem:v12+s3+$0x0], $0xffff  }
0x164: {  	s8 =	sadd.s32 $0xFFFFFE80, s6;
	v23 =	vor.u32 s13, v0;
	[tilespmem:v14+s4+$0x0] =	vst.idx.msk $0xffff, v25;
	v47 =	vld.idx.msk [tilespmem:v13+s3+$0x0], $0xffff;
	v49 =	vshll.u32 v18, $0x2  }
0x165: {  	v27 =	vor.u32 s8, v0;
	[tilespmem:v8+s4+$0x0] =	vst.idx.msk $0xffff, v9;
	v51 =	vld.idx.msk [tilespmem:v41+s3+$0x0], $0xffff;
	v53 =	vshll.u32 v22, $0x2  }
0x166: {  	s12 =	sadd.s32 $0xFFFFFF40, s6;
	v33 =	vor.u32 $0x1, v12;
	[tilespmem:v7+s4+$0x0] =	vst.idx.msk $0xffff, v11;
	v63 =	vld.idx.msk [tilespmem:v24+s3+$0x0], $0xffff  }
0x167: {  	s7 =	sadd.s32 $0xFFFFFF00, s6;
	v26 =	vor.u32 s12, v0;
	v42 =	vor.u32 $0x1, v41;
	v59 =	vld.idx.msk [tilespmem:v16+s3+$0x0], $0xffff;
	[tilespmem:v50+s4+$0x0] =	vst.idx.msk $0xffff, v39  }
0x168: {  	s9 =	sadd.s32 $0xFFFFFF80, s6;
	s10 =	sadd.s32 $0xFFFFFFC0, s6;
	v1 =	vor.u32 s8, v3;
	v29 =	vor.u32 s7, v0;
	[tilespmem:v28+s4+$0x0] =	vst.idx.msk $0xffff, v55;
	v39 =	vld.idx.msk [tilespmem:v54+s3+$0x0], $0xffff  }
0x169: {  	v30 =	vor.u32 s9, v0;
	v31 =	vor.u32 s10, v0;
	v14 =	vor.u32 $0x1, v13;
	v10 =	vld.idx.msk [tilespmem:v49+s3+$0x0], $0xffff;
	[tilespmem:v23+s4+$0x0] =	vst.idx.msk $0xffff, v47  }
0x16a: {  	v48 =	vor.u32 $0x1, v24;
	v45 =	vor.u32 $0x1, v16;
	[tilespmem:v27+s4+$0x0] =	vst.idx.msk $0xffff, v51;
	v27 =	vld.idx.msk [tilespmem:v53+s3+$0x0], $0xffff;
	v47 =	vor.u32 s6, v2  }
0x16b: {  	[tilespmem:$0x1FF40] =	vst v1;
	v58 =	vor.u32 $0x1, v53;
	v60 =	vor.u32 $0x2, v53;
	v11 =	vor.u32 $0x3, v53;
	v53 =	vld.idx.msk [tilespmem:v33+s3+$0x0], $0xffff  }
0x16c: {  	v19 =	vor.u32 s11, v38;
	v15 =	vor.u32 s8, v2;
	[tilespmem:v26+s4+$0x0] =	vst.idx.msk $0xffff, v63;
	v51 =	vor.u32 $0x2, v40;
	v42 =	vld.idx.msk [tilespmem:v42+s3+$0x0], $0xffff  }
0x16d: {  	v34 =	vor.u32 s7, v2;
	v36 =	vor.u32 s9, v2;
	v43 =	vor.u32 $0x2, v41;
	[tilespmem:v29+s4+$0x0] =	vst.idx.msk $0xffff, v59;
	v2 =	vld [tilespmem:$0x1FF40]  }
0x16e: {  	v32 =	vor.u32 s13, v38;
	v52 =	vor.u32 $0x1, v49;
	v54 =	vld.idx.msk [tilespmem:v14+s3+$0x0], $0xffff;
	[tilespmem:v30+s4+$0x0] =	vst.idx.msk $0xffff, v10  }
0x16f: {  	v26 =	vld.idx.msk [tilespmem:v45+s3+$0x0], $0xffff;
	[tilespmem:v47+s4+$0x0] =	vst.idx.msk $0xffff, v39  }
0x170: {  	v44 =	vor.u32 $0x2, v12;
	v10 =	vld.idx.msk [tilespmem:v48+s3+$0x0], $0xffff;
	[tilespmem:v31+s4+$0x0] =	vst.idx.msk $0xffff, v27  }
0x171: {  	v25 =	vor.u32 $0x2, v13;
	v27 =	vld.idx.msk [tilespmem:v51+s3+$0x0], $0xffff;
	[tilespmem:v15+s4+$0x0] =	vst.idx.msk $0xffff, v42  }
0x172: {  	[tilespmem:v19+s4+$0x0] =	vst.idx.msk $0xffff, v53;
	v19 =	vld.idx.msk [tilespmem:v43+s3+$0x0], $0xffff  }
0x173: {  	v35 =	vor.u32 s12, v38;
	v46 =	vor.u32 $0x2, v16;
	[tilespmem:v32+s4+$0x0] =	vst.idx.msk $0xffff, v54;
	v54 =	vld.idx.msk [tilespmem:v52+s3+$0x0], $0xffff  }
0x174: {  	v1 =	vor.u32 s11, v4;
	v56 =	vor.u32 $0x2, v24;
	v55 =	vor.u32 s6, v3;
	v15 =	vld.idx.msk [tilespmem:v58+s3+$0x0], $0xffff  }
0x175: {  	[tilespmem:$0x1FF50] =	vst v1;
	v58 =	vor.u32 $0x3, v40;
	v29 =	vld.idx.msk [tilespmem:v44+s3+$0x0], $0xffff  }
0x176: {  	v37 =	vor.u32 s10, v38;
	v57 =	vor.u32 $0x2, v49;
	[tilespmem:v34+s4+$0x0] =	vst.idx.msk $0xffff, v26;
	v25 =	vld.idx.msk [tilespmem:v25+s3+$0x0], $0xffff  }
0x177: {  	v20 =	vor.u32 s13, v4;
	[tilespmem:v2+s4+$0x0] =	vst.idx.msk $0xffff, v19;
	v2 =	vld [tilespmem:$0x1FF50]  }
0x178: {  	v21 =	vor.u32 s7, v3;
	v61 =	vor.u32 $0x3, v13;
	[tilespmem:v35+s4+$0x0] =	vst.idx.msk $0xffff, v10;
	v10 =	vld.idx.msk [tilespmem:v46+s3+$0x0], $0xffff  }
0x179: {  	v17 =	vor.u32 s12, v4;
	v41 =	vor.u32 $0x3, v41;
	[tilespmem:v55+s4+$0x0] =	vst.idx.msk $0xffff, v27;
	v59 =	vld.idx.msk [tilespmem:v56+s3+$0x0], $0xffff  }
0x17a: {  	s5 =	sadd.s32 $0x8, s5;
	v1 =	vor.u32 $0x3, v16;
	[tilespmem:v36+s4+$0x0] =	vst.idx.msk $0xffff, v54;
	v27 =	vld.idx.msk [tilespmem:v58+s3+$0x0], $0xffff  }
0x17b: {  	p0 =	slt.u32 s5, $0x78;
	v62 =	vor.u32 $0x3, v12;
	v63 =	vor.u32 s6, v5;
	[tilespmem:v37+s4+$0x0] =	vst.idx.msk $0xffff, v15;
	v15 =	vld.idx.msk [tilespmem:v57+s3+$0x0], $0xffff  }
.Ltmp3:
0x17c: {  	[tilespmem:v20+s4+$0x0] =	vst.idx.msk $0xffff, v25;
	v19 =	vld.idx.msk [tilespmem:v60+s3+$0x0], $0xffff;
	(pc) =	sbr.rel @p0 .LBB2_7-.Ltmp3, $4  }
0x17d: {  	v8 =	vor.u32 s9, v5;
	v12 =	vor.u32 s12, v6;
	v26 =	vld.idx.msk [tilespmem:v61+s3+$0x0], $0xffff;
	[tilespmem:v21+s4+$0x0] =	vst.idx.msk $0xffff, v10  }
0x17e: {  	v7 =	vor.u32 s10, v6;
	v22 =	vor.u32 s9, v3;
	v18 =	vor.u32 s10, v4;
	v20 =	vld.idx.msk [tilespmem:v41+s3+$0x0], $0xffff;
	[tilespmem:v17+s4+$0x0] =	vst.idx.msk $0xffff, v59  }
0x17f: {  	v24 =	vor.u32 $0x3, v24;
	v16 =	vor.u32 s8, v5;
	v13 =	vor.u32 s11, v6;
	v25 =	vld.idx.msk [tilespmem:v1+s3+$0x0], $0xffff;
	[tilespmem:v2+s4+$0x0] =	vst.idx.msk $0xffff, v29  }
0x180: {  	v9 =	vor.u32 $0x3, v49;
	v23 =	vor.u32 s13, v6;
	s6 =	sadd.s32 $0x200, s6;
	v14 =	vor.u32 s7, v5;
	[tilespmem:v63+s4+$0x0] =	vst.idx.msk $0xffff, v27;
	v21 =	vld.idx.msk [tilespmem:v62+s3+$0x0], $0xffff  }
0x181: {  	_ =	sdelay $0x3  }
0x182: {  	[tilespmem:v22+s4+$0x0] =	vst.idx.msk $0xffff, v15  }
0x183: {  	v0 =	vld.idx.msk [tilespmem:v24+s3+$0x0], $0xffff;
	[tilespmem:v18+s4+$0x0] =	vst.idx.msk $0xffff, v19  }
0x184: {  	[tilespmem:v23+s4+$0x0] =	vst.idx.msk $0xffff, v26;
	v1 =	vld.idx.msk [tilespmem:v9+s3+$0x0], $0xffff  }
0x185: {  	v2 =	vld.idx.msk [tilespmem:v11+s3+$0x0], $0xffff;
	[tilespmem:v16+s4+$0x0] =	vst.idx.msk $0xffff, v20  }
0x186: {  	[tilespmem:v14+s4+$0x0] =	vst.idx.msk $0xffff, v25  }
0x187: {  	[tilespmem:v13+s4+$0x0] =	vst.idx.msk $0xffff, v21  }
0x188: {  	[tilespmem:v12+s4+$0x0] =	vst.idx.msk $0xffff, v0  }
0x189: {  	s2 =	sadd.s32 $0x300, s2;
	[tilespmem:v8+s4+$0x0] =	vst.idx.msk $0xffff, v1  }
0x18a: {  	s28 =	simm.s32 $0x0;
	s29 =	simm.s32 $0x2080;
	s30 =	simm.s32 $0x4;
	[tilespmem:v7+s4+$0x0] =	vst.idx.msk $0xffff, v2  }
0x18b: {  	[hbm4b:s2+s28] =	stream.linear.scatter [tilespmem:s29], [sflag:$0x4], $0x800, $0x38;
	[tilespmem:$0x2880] =	vst v63  }
0x18c: {  	_ =	swait.ge [sflag:s30], $0x800  }
0x18d: {  	[sflag:s30] =	ssyncset.done $0x0  }
0x18e: {  	s31 =	simm.s32 $0x3;
	[sflag:s30] =	ssyncadd.s32 $0xFFFFF800  }
0x18f: {  	_ =	swait.ge [sflag:s31], $0x800  }
0x190: {  	[sflag:s31] =	ssyncset.done $0x0  }
0x191: {  	[sflag:s31] =	ssyncadd.s32 $0xFFFFF800  }
0x192: {  	_ =	swait.ge [sflag:s31], $0x800  }
0x193: {  	[sflag:s31] =	ssyncset.done $0x0  }
0x194: {  	[sflag:s31] =	ssyncadd.s32 $0xFFFFF800  }
0x195: {  	_ =	swait.ge [sflag:s31], $0x800  }
0x196: {  	[sflag:s31] =	ssyncset.done $0x0  }
0x197: {  	[sflag:s31] =	ssyncadd.s32 $0xFFFFF800  }
0x198: {  	_ =	sfence.sel $0x180000  }
0x199: {  	[bflag:$0x0] =	sbarrier.arrive $0xFFFF  }
0x19a: {  	p0 =	sne.s32 s1, $0x0;
	_ =	strace $0x90000047  }
0x19b: {  	s0 =	sadd.s32 @!p0 $0x100000, s0;
	[bflag:$0x2] =	sbarrier.arrive $0xFFFF  }
0x19c: {  	[sflag:s0] =	ssyncadd.tile.s32 @!p0 $0x1;
	_ =	shalt  }
.Lfunc_end2:
_tile_overlayer_lowered:
.L_overlay_start_2:
0x19d: {  	(tag) =	ssettag $0x2  }
0x19e: {  	s0 =	rddreg [dreg:$0x0];
	s2 =	stileid.u32  }
0x19f: {  	s1 =	rddreg [dreg:$0x1];
	p0 =	sne.s32 s2, $0x0  }
0x1a0: {  	s3 =	rddreg [dreg:$0x2];
	[bflag:$0x3] =	sbarrier.arrive $0xFFFF;
	s2 =	simm.s32 @!p0 $0x1C04  }
0x1a1: {  	[timem:s3], [sflag:s2] =	dma.local @!p0 [hbm:s0], s1  }
0x1a2: {  	s0 =	simm.s32 @!p0 $0x4  }
0x1a3: {  	_ =	swait.ge @!p0 [sflag:s0], s1  }
0x1a4: {  	s1 =	ssub.s32 @!p0 $0x0, s1;
	[sflag:s0] =	ssyncset.done @!p0 $0x0  }
0x1a5: {  	[sflag:s0] =	ssyncadd.s32 @!p0 s1  }
0x1a6: {  	[bflag:$0x3] =	sbarrier.arrive $0xFFFF  }
0x1a7: {  	_ =	shalt  }

</sc_bundles>
